<compile_context>
chip_gen: v7x
topology: tpu7x:2x2x1
jax: 0.10.2.dev20260603
libtpu: 0.0.44.dev20260713+nightly
codegen_flags: <defaults>
</compile_context>

<pallas_src>
import jax
import jax.numpy as jnp
from jax.experimental import pallas as pl
from jax.experimental.pallas import tpu as pltpu
from jax.experimental.pallas import tpu_sc as plsc

B, S, D, E = 4, 4096, 2048, 16
TOP_K = 2

S2 = 1024
S1 = S - S2
R = 16
NSJ = S2 // R
CHUNK = 512
NS1 = S1 // CHUNK


def _sc_reduce(x):
    mesh = plsc.VectorSubcoreMesh(core_axis_name="c", subcore_axis_name="s")

    @pl.kernel(
        out_type=jax.ShapeDtypeStruct((B, NSJ, D), jnp.float32),
        mesh=mesh,
        scratch_types=[],
    )
    def k(x_hbm, o_hbm):
        def body(x_vmem, o_vmem):
            @pl.loop(0, D, step=16)
            def _(c):
                acc = x_vmem[0, 0, pl.ds(c, 16)]
                for r in range(1, R):
                    acc = acc + x_vmem[0, r, pl.ds(c, 16)]
                o_vmem[0, 0, pl.ds(c, 16)] = acc

        pltpu.emit_pipeline(
            body,
            grid=(B, NSJ),
            in_specs=[pl.BlockSpec((1, R, D),
                                   lambda i, j: (i, S1 // R + j, 0))],
            out_specs=[pl.BlockSpec((1, 1, D), lambda i, j: (i, j, 0))],
            core_axis_name=("c", "s"),
            dimension_semantics=(pltpu.PARALLEL, pltpu.PARALLEL),
        )(x_hbm, o_hbm)

    return k(x)


def _tc_reduce_kernel(x_ref, p_ref, acc_ref):
    si = pl.program_id(1)
    part = jnp.sum(x_ref[0], axis=0)

    @pl.when(si == 0)
    def _init():
        acc_ref[0, :] = part

    @pl.when(si != 0)
    def _acc():
        acc_ref[0, :] = acc_ref[0, :] + part

    @pl.when(si == NS1 - 1)
    def _store():
        p_ref[0, 0, :] = acc_ref[0, :]


def _tc_reduce(x):
    return pl.pallas_call(
        _tc_reduce_kernel,
        grid=(B, NS1),
        in_specs=[pl.BlockSpec((1, CHUNK, D), lambda bi, si: (bi, si, 0))],
        out_specs=pl.BlockSpec((1, 1, D), lambda bi, si: (bi, 0, 0)),
        out_shape=jax.ShapeDtypeStruct((B, 1, D), jnp.float32),
        scratch_shapes=[pltpu.VMEM((1, D), jnp.float32)],
    )(x)


def _finalize_kernel(pt_ref, ps_ref, w_ref, b_ref, tw_ref, ti_ref, aw_ref):
    q_sum = pt_ref[:, 0, :] + jnp.sum(ps_ref[...], axis=1)
    q_pool = q_sum * (1.0 / S)
    logits = jnp.dot(q_pool, w_ref[...],
                     preferred_element_type=jnp.float32) + b_ref[0]
    m = jnp.max(logits, axis=-1, keepdims=True)
    ex = jnp.exp(logits - m)
    aw = ex / jnp.sum(ex, axis=-1, keepdims=True)
    aw_ref[...] = aw

    cols = jax.lax.broadcasted_iota(jnp.int32, (B, E), 1)
    i1 = jnp.argmax(aw, axis=-1).astype(jnp.int32)
    v1 = jnp.max(aw, axis=-1)
    masked = jnp.where(cols == i1[:, None], -jnp.inf, aw)
    i2 = jnp.argmax(masked, axis=-1).astype(jnp.int32)
    v2 = jnp.max(masked, axis=-1)
    norm = 1.0 / (v1 + v2 + 1e-10)
    tw_ref[...] = jnp.stack([v1 * norm, v2 * norm], axis=-1)
    ti_ref[...] = jnp.stack([i1, i2], axis=-1)


@jax.jit
def kernel(x_f, W, b):
    p_sc = _sc_reduce(x_f)
    p_tc = jnp.sum(x_f[:, :S1, :], axis=1, keepdims=True)
    b2 = b.reshape(1, E)
    out = pl.pallas_call(
        _finalize_kernel,
        in_specs=[
            pl.BlockSpec((B, 1, D), lambda: (0, 0, 0)),
            pl.BlockSpec((B, NSJ, D), lambda: (0, 0, 0)),
            pl.BlockSpec((D, E), lambda: (0, 0)),
            pl.BlockSpec((1, E), lambda: (0, 0)),
        ],
        out_specs=[
            pl.BlockSpec((B, TOP_K), lambda: (0, 0)),
            pl.BlockSpec((B, TOP_K), lambda: (0, 0)),
            pl.BlockSpec((B, E), lambda: (0, 0)),
        ],
        out_shape=[
            jax.ShapeDtypeStruct((B, TOP_K), jnp.float32),
            jax.ShapeDtypeStruct((B, TOP_K), jnp.int32),
            jax.ShapeDtypeStruct((B, E), jnp.float32),
        ],
    )(p_tc, p_sc, W, b2)
    return tuple(out)

# --- scband reference (transcript-rebuilt; emitter-appended) ---
"""Pipeline reference for scband-sparse-router-20298015441152 (READ-ONLY COPY).

The authoritative reference and input builder live on the scoring server;
editing this copy changes nothing except your own understanding.
"""

import jax, jax.numpy as jnp
import numpy as np

TOP_K = 2

def setup_inputs(seed: int = 0) -> dict:
    key = jax.random.key(seed)
    k1, k2, k3 = jax.random.split(key, 3)
    B, S, D, E = 4, 4096, 2048, 16
    x_f = jax.random.normal(k1, (B, S, D), dtype=jnp.float32)
    # nn.Linear(d, n_experts): weight [E, D], bias [E]; use W_t = weight.T [D, E]
    W = jax.random.normal(k2, (D, E), dtype=jnp.float32) * (1.0 / np.sqrt(D))
    b = jax.random.normal(k3, (E,), dtype=jnp.float32) * 0.01
    return {"x_f": x_f, "W": W, "b": b}

def reference(x_f, W, b):
    # q_pool = mean over sequence dimension
    q_pool = jnp.mean(x_f, axis=1)                       # [B, D]
    logits = q_pool @ W + b                              # [B, E]
    all_weights = jax.nn.softmax(logits, axis=-1)        # [B, E]
    top_k_weights, top_k_indices = jax.lax.top_k(all_weights, TOP_K)
    top_k_weights = top_k_weights / (jnp.sum(top_k_weights, axis=-1, keepdims=True) + 1e-10)
    return (top_k_weights, top_k_indices, all_weights)

if __name__ == "__main__":
    import jax
    _d = setup_inputs()
    print(jax.jit(kernel)(*tuple(_d.values())))

</pallas_src>

<mosaic_0001>
#map = affine_map<(d0, d1) -> (0, 0, 0)>
module attributes {stable_mosaic.version = 14 : i64} {
  func.func @k(%arg0: i32, %arg1: i32, %arg2: memref<4x4096x2048xf32, #tpu.memory_space<hbm>>, %arg3: memref<4x64x2048xf32, #tpu.memory_space<hbm>>) attributes {dimension_semantics = [#tpu.dimension_semantics<core_parallel>, #tpu.dimension_semantics<subcore_parallel>], iteration_bounds = array<i64: 2, 16>, scalar_prefetch = 0 : i64, scratch_operands = 0 : i64, tpu.core_type = #tpu.core_type<sc_vector_subcore>, window_params = [{transform_indices = #map}, {transform_indices = #map}]} {
    %mul3A = arith.constant 1 : i32
    %mul3A_0 = arith.muli %arg1, %mul3A : i32
    %add3A = arith.constant 0 : i32
    %add3A_1 = arith.addi %add3A, %mul3A_0 : i32
    %mul3A_2 = arith.constant 16 : i32
    %mul3A_3 = arith.muli %arg0, %mul3A_2 : i32
    %add3A_4 = arith.addi %add3A_1, %mul3A_3 : i32
    %mul3A_5 = arith.constant 2 : i32
    %mul3A_6 = arith.muli %add3A_4, %mul3A_5 : i32
    "tpu.region"() ({
      %run_scoped3A = memref.alloca() : memref<2x1x16x2048xf32, #tpu.memory_space<vmem>>
      %run_scoped3A_7 = tpu.sem_alloc : memref<2x!tpu.dma_semaphore, #tpu.memory_space<semaphore_mem>>
      %run_scoped3A_8 = memref.alloca() : memref<2x1x1x2048xf32, #tpu.memory_space<vmem>>
      %run_scoped3A_9 = tpu.sem_alloc : memref<2x!tpu.dma_semaphore, #tpu.memory_space<semaphore_mem>>
      %add3A_10 = arith.constant 0 : i32
      %add3A_11 = arith.addi %add3A_10, %mul3A_6 : i32
      %select_n3A = arith.constant true
      %select_n3A_12 = arith.constant 0 : i32
      %select_n3A_13 = arith.constant -1 : i32
      %select_n3A_14 = arith.select %select_n3A, %select_n3A_13, %select_n3A_12 : i32
      %eq3A = arith.constant -1 : i32
      %eq3A_15 = arith.cmpi eq, %select_n3A_14, %eq3A : i32
      %select_n3A_16 = arith.constant 1 : i32
      %select_n3A_17 = arith.select %eq3A_15, %select_n3A_16, %select_n3A_14 : i32
      %select_n3A_18 = arith.constant 0 : i32
      %select_n3A_19 = arith.constant -1 : i32
      %select_n3A_20 = arith.select %eq3A_15, %select_n3A_19, %select_n3A_18 : i32
      %eq3A_21 = arith.constant -1 : i32
      %eq3A_22 = arith.cmpi eq, %select_n3A_20, %eq3A_21 : i32
      %select_n3A_23 = arith.constant 3 : i32
      %select_n3A_24 = arith.select %eq3A_22, %select_n3A_23, %select_n3A_20 : i32
      %add3A_25 = arith.constant 0 : i32
      %add3A_26 = arith.addi %select_n3A_24, %add3A_25 : i32
      %add3A_27 = arith.addi %select_n3A_17, %mul3A_6 : i32
      %select_n3A_28 = arith.constant true
      %select_n3A_29 = arith.constant 0 : i32
      %select_n3A_30 = arith.constant 1 : i32
      %select_n3A_31 = arith.select %select_n3A_28, %select_n3A_30, %select_n3A_29 : i32
      %eq3A_32 = arith.constant 2 : i32
      %eq3A_33 = arith.cmpi eq, %select_n3A_31, %eq3A_32 : i32
      %select_n3A_34 = arith.constant 0 : i32
      %select_n3A_35 = arith.select %eq3A_33, %select_n3A_34, %select_n3A_31 : i32
      %select_n3A_36 = arith.constant 0 : i32
      %select_n3A_37 = arith.constant 1 : i32
      %select_n3A_38 = arith.select %eq3A_33, %select_n3A_37, %select_n3A_36 : i32
      %eq3A_39 = arith.constant 4 : i32
      %eq3A_40 = arith.cmpi eq, %select_n3A_38, %eq3A_39 : i32
      %select_n3A_41 = arith.constant 0 : i32
      %select_n3A_42 = arith.select %eq3A_40, %select_n3A_41, %select_n3A_38 : i32
      %add3A_43 = arith.constant 0 : i32
      %add3A_44 = arith.addi %select_n3A_42, %add3A_43 : i32
      %add3A_45 = arith.addi %select_n3A_35, %mul3A_6 : i32
      %add3A_46 = arith.constant 1 : i32
      %add3A_47 = arith.addi %select_n3A_35, %add3A_46 : i32
      %select_n3A_48 = arith.constant true
      %select_n3A_49 = arith.select %select_n3A_48, %add3A_47, %select_n3A_35 : i32
      %eq3A_50 = arith.constant 2 : i32
      %eq3A_51 = arith.cmpi eq, %select_n3A_49, %eq3A_50 : i32
      %select_n3A_52 = arith.constant 0 : i32
      %select_n3A_53 = arith.select %eq3A_51, %select_n3A_52, %select_n3A_49 : i32
      %add3A_54 = arith.constant 1 : i32
      %add3A_55 = arith.addi %select_n3A_42, %add3A_54 : i32
      %select_n3A_56 = arith.select %eq3A_51, %add3A_55, %select_n3A_42 : i32
      %eq3A_57 = arith.constant 4 : i32
      %eq3A_58 = arith.cmpi eq, %select_n3A_56, %eq3A_57 : i32
      %select_n3A_59 = arith.constant 0 : i32
      %select_n3A_60 = arith.select %eq3A_58, %select_n3A_59, %select_n3A_56 : i32
      %add3A_61 = arith.constant 0 : i32
      %add3A_62 = arith.addi %select_n3A_60, %add3A_61 : i32
      %add3A_63 = arith.addi %select_n3A_53, %mul3A_6 : i32
      "tpu.trace_start"() <{level = 10 : i32, message = "ep_initialize_0"}> : () -> ()
      %rem3A = arith.constant 0 : i32
      %rem3A_64 = arith.constant 2 : i32
      %rem3A_65 = arith.remui %rem3A, %rem3A_64 : i32
      %add3A_66 = arith.constant 192 : i32
      %add3A_67 = arith.addi %add3A_66, %add3A_11 : i32
      %mul3A_68 = arith.constant 16 : i32
      %mul3A_69 = arith.muli %mul3A_68, %add3A_67 : i32
      %dma_start3A = arith.constant 0 : i32
      %dma_start3A_70 = arith.constant 0 : i32
      %dma_start3A_71 = arith.constant 0 : i32
      %dma_start3A_72 = tpu.memref_slice %run_scoped3A[%rem3A_65, %dma_start3A, %dma_start3A_70, %dma_start3A_71] : memref<2x1x16x2048xf32, #tpu.memory_space<vmem>> -> memref<1x1x16x2048xf32, #tpu.memory_space<vmem>>
      %dma_start3A_73 = tpu.memref_squeeze %dma_start3A_72 : memref<1x1x16x2048xf32, #tpu.memory_space<vmem>> -> memref<1x16x2048xf32, #tpu.memory_space<vmem>>
      %dma_start3A_74 = arith.constant 0 : i32
      %dma_start3A_75 = arith.constant 0 : i32
      %dma_start3A_76 = tpu.memref_slice %arg2[%dma_start3A_74, %mul3A_69, %dma_start3A_75] : memref<4x4096x2048xf32, #tpu.memory_space<hbm>> -> memref<1x16x2048xf32, #tpu.memory_space<hbm>>
      %dma_start3A_77 = tpu.memref_slice %run_scoped3A_7[%rem3A_65] : memref<2x!tpu.dma_semaphore, #tpu.memory_space<semaphore_mem>> -> memref<1x!tpu.dma_semaphore, #tpu.memory_space<semaphore_mem>>
      %dma_start3A_78 = tpu.memref_squeeze %dma_start3A_77 : memref<1x!tpu.dma_semaphore, #tpu.memory_space<semaphore_mem>> -> memref<!tpu.dma_semaphore, #tpu.memory_space<semaphore_mem>>
      %dma_start3A_79 = arith.constant 0 : i32
      %dma_start3A_80 = arith.constant 0 : i32
      %dma_start3A_81 = arith.constant 0 : i32
      %dma_start3A_82 = tpu.memref_slice %run_scoped3A[%rem3A_65, %dma_start3A_79, %dma_start3A_80, %dma_start3A_81] : memref<2x1x16x2048xf32, #tpu.memory_space<vmem>> -> memref<1x1x16x2048xf32, #tpu.memory_space<vmem>>
      %dma_start3A_83 = tpu.memref_squeeze %dma_start3A_82 : memref<1x1x16x2048xf32, #tpu.memory_space<vmem>> -> memref<1x16x2048xf32, #tpu.memory_space<vmem>>
      %dma_start3A_84 = arith.constant 0 : i32
      %dma_start3A_85 = arith.constant 0 : i32
      %dma_start3A_86 = tpu.memref_slice %arg2[%dma_start3A_84, %mul3A_69, %dma_start3A_85] : memref<4x4096x2048xf32, #tpu.memory_space<hbm>> -> memref<1x16x2048xf32, #tpu.memory_space<hbm>>
      tpu.enqueue_dma source(%dma_start3A_86 : memref<1x16x2048xf32, #tpu.memory_space<hbm>>) target(%dma_start3A_83 : memref<1x16x2048xf32, #tpu.memory_space<vmem>>) target_semaphore(%dma_start3A_78 : memref<!tpu.dma_semaphore, #tpu.memory_space<semaphore_mem>>)
      %add3A_87 = arith.constant 0 : i32
      %add3A_88 = arith.constant 1 : i32
      %add3A_89 = arith.addi %add3A_87, %add3A_88 : i32
      %select_n3A_90 = arith.constant true
      %select_n3A_91 = arith.constant 0 : i32
      %select_n3A_92 = arith.select %select_n3A_90, %add3A_89, %select_n3A_91 : i32
      "tpu.trace_stop"() : () -> ()
      %scan3A = arith.constant 0 : i32
      %scan3A_93 = arith.constant 0 : i32
      %scan3A_94 = arith.constant 0 : i32
      %scan3A_95 = arith.constant 0 : i32
      %scan3A_96 = arith.constant 0 : i32
      %scan3A_97 = arith.constant 0 : i32
      %scan3A_98 = arith.constant 8 : i32
      %scan3A_99 = arith.addi %scan3A_97, %scan3A_98 : i32
      %scan3A_100 = arith.constant 1 : i32
      %scan3A_101:6 = scf.for %scan3A_195 = %scan3A_97 to %scan3A_99 step %scan3A_100 iter_args(%scan3A_196 = %select_n3A_92, %scan3A_197 = %scan3A, %scan3A_198 = %scan3A_93, %scan3A_199 = %scan3A_94, %scan3A_200 = %scan3A_95, %scan3A_201 = %scan3A_96) -> (i32, i32, i32, i32, i32, i32)  : i32 {
        %eq3A_202 = arith.constant 0 : i32
        %eq3A_203 = arith.cmpi eq, %scan3A_195, %eq3A_202 : i32
        %eq3A_204 = arith.constant 7 : i32
        %eq3A_205 = arith.cmpi eq, %scan3A_195, %eq3A_204 : i32
        %add3A_206 = arith.constant 0 : i32
        %add3A_207 = arith.addi %scan3A_200, %add3A_206 : i32
        %add3A_208 = arith.addi %scan3A_201, %mul3A_6 : i32
        %sub3A_209 = arith.constant 1 : i32
        %sub3A_210 = arith.subi %scan3A_201, %sub3A_209 : i32
        %select_n3A_211 = arith.constant true
        %select_n3A_212 = arith.select %select_n3A_211, %sub3A_210, %scan3A_201 : i32
        %eq3A_213 = arith.constant -1 : i32
        %eq3A_214 = arith.cmpi eq, %select_n3A_212, %eq3A_213 : i32
        %select_n3A_215 = arith.constant 1 : i32
        %select_n3A_216 = arith.select %eq3A_214, %select_n3A_215, %select_n3A_212 : i32
        %sub3A_217 = arith.constant 1 : i32
        %sub3A_218 = arith.subi %scan3A_200, %sub3A_217 : i32
        %select_n3A_219 = arith.select %eq3A_214, %sub3A_218, %scan3A_200 : i32
        %eq3A_220 = arith.constant -1 : i32
        %eq3A_221 = arith.cmpi eq, %select_n3A_219, %eq3A_220 : i32
        %select_n3A_222 = arith.constant 3 : i32
        %select_n3A_223 = arith.select %eq3A_221, %select_n3A_222, %select_n3A_219 : i32
        %add3A_224 = arith.constant 0 : i32
        %add3A_225 = arith.addi %select_n3A_223, %add3A_224 : i32
        %add3A_226 = arith.addi %select_n3A_216, %mul3A_6 : i32
        %add3A_227 = arith.constant 1 : i32
        %add3A_228 = arith.addi %scan3A_201, %add3A_227 : i32
        %select_n3A_229 = arith.constant true
        %select_n3A_230 = arith.select %select_n3A_229, %add3A_228, %scan3A_201 : i32
        %eq3A_231 = arith.constant 2 : i32
        %eq3A_232 = arith.cmpi eq, %select_n3A_230, %eq3A_231 : i32
        %select_n3A_233 = arith.constant 0 : i32
        %select_n3A_234 = arith.select %eq3A_232, %select_n3A_233, %select_n3A_230 : i32
        %add3A_235 = arith.constant 1 : i32
        %add3A_236 = arith.addi %scan3A_200, %add3A_235 : i32
        %select_n3A_237 = arith.select %eq3A_232, %add3A_236, %scan3A_200 : i32
        %eq3A_238 = arith.constant 4 : i32
        %eq3A_239 = arith.cmpi eq, %select_n3A_237, %eq3A_238 : i32
        %select_n3A_240 = arith.constant 0 : i32
        %select_n3A_241 = arith.select %eq3A_239, %select_n3A_240, %select_n3A_237 : i32
        %add3A_242 = arith.constant 0 : i32
        %add3A_243 = arith.addi %select_n3A_241, %add3A_242 : i32
        %add3A_244 = arith.addi %select_n3A_234, %mul3A_6 : i32
        %add3A_245 = arith.constant 1 : i32
        %add3A_246 = arith.addi %select_n3A_234, %add3A_245 : i32
        %select_n3A_247 = arith.constant true
        %select_n3A_248 = arith.select %select_n3A_247, %add3A_246, %select_n3A_234 : i32
        %eq3A_249 = arith.constant 2 : i32
        %eq3A_250 = arith.cmpi eq, %select_n3A_248, %eq3A_249 : i32
        %select_n3A_251 = arith.constant 0 : i32
        %select_n3A_252 = arith.select %eq3A_250, %select_n3A_251, %select_n3A_248 : i32
        %add3A_253 = arith.constant 1 : i32
        %add3A_254 = arith.addi %select_n3A_241, %add3A_253 : i32
        %select_n3A_255 = arith.select %eq3A_250, %add3A_254, %select_n3A_241 : i32
        %eq3A_256 = arith.constant 4 : i32
        %eq3A_257 = arith.cmpi eq, %select_n3A_255, %eq3A_256 : i32
        %select_n3A_258 = arith.constant 0 : i32
        %select_n3A_259 = arith.select %eq3A_257, %select_n3A_258, %select_n3A_255 : i32
        %add3A_260 = arith.constant 0 : i32
        %add3A_261 = arith.addi %select_n3A_259, %add3A_260 : i32
        %add3A_262 = arith.addi %select_n3A_252, %mul3A_6 : i32
        %add3A_263 = arith.constant 192 : i32
        %add3A_264 = arith.addi %add3A_263, %add3A_208 : i32
        %add3A_265 = arith.constant 192 : i32
        %add3A_266 = arith.addi %add3A_265, %add3A_244 : i32
        %ne3A = arith.cmpi ne, %add3A_207, %add3A_243 : i32
        %ne3A_267 = arith.cmpi ne, %add3A_264, %add3A_266 : i32
        %or3A = arith.constant false
        %or3A_268 = arith.ori %or3A, %ne3A : i1
        %or3A_269 = arith.ori %or3A_268, %ne3A_267 : i1
        %or3A_270 = arith.constant false
        %or3A_271 = arith.ori %or3A_269, %or3A_270 : i1
        %ge3A = arith.constant 7 : i32
        %ge3A_272 = arith.cmpi sge, %scan3A_195, %ge3A : i32
        %not3A = arith.constant true
        %not3A_273 = arith.xori %ge3A_272, %not3A : i1
        %and3A = arith.andi %or3A_271, %not3A_273 : i1
        %convert_element_type3A = arith.extui %and3A : i1 to i32
        %cond3A = arith.constant 0 : i32
        %cond3A_274 = arith.cmpi ne, %convert_element_type3A, %cond3A : i32
        scf.if %cond3A_274 {
          "tpu.trace_start"() <{level = 10 : i32, message = "ep_copy_in"}> : () -> ()
          %rem3A_427 = arith.constant 2 : i32
          %rem3A_428 = arith.remui %scan3A_196, %rem3A_427 : i32
          %add3A_429 = arith.constant 192 : i32
          %add3A_430 = arith.addi %add3A_429, %add3A_244 : i32
          %mul3A_431 = arith.constant 1 : i32
          %mul3A_432 = arith.muli %mul3A_431, %add3A_243 : i32
          %mul3A_433 = arith.constant 16 : i32
          %mul3A_434 = arith.muli %mul3A_433, %add3A_430 : i32
          %dma_start3A_435 = arith.constant 0 : i32
          %dma_start3A_436 = arith.constant 0 : i32
          %dma_start3A_437 = arith.constant 0 : i32
          %dma_start3A_438 = tpu.memref_slice %run_scoped3A[%rem3A_428, %dma_start3A_435, %dma_start3A_436, %dma_start3A_437] : memref<2x1x16x2048xf32, #tpu.memory_space<vmem>> -> memref<1x1x16x2048xf32, #tpu.memory_space<vmem>>
          %dma_start3A_439 = tpu.memref_squeeze %dma_start3A_438 : memref<1x1x16x2048xf32, #tpu.memory_space<vmem>> -> memref<1x16x2048xf32, #tpu.memory_space<vmem>>
          %dma_start3A_440 = arith.constant 0 : i32
          %dma_start3A_441 = tpu.memref_slice %arg2[%mul3A_432, %mul3A_434, %dma_start3A_440] : memref<4x4096x2048xf32, #tpu.memory_space<hbm>> -> memref<1x16x2048xf32, #tpu.memory_space<hbm>>
          %dma_start3A_442 = tpu.memref_slice %run_scoped3A_7[%rem3A_428] : memref<2x!tpu.dma_semaphore, #tpu.memory_space<semaphore_mem>> -> memref<1x!tpu.dma_semaphore, #tpu.memory_space<semaphore_mem>>
          %dma_start3A_443 = tpu.memref_squeeze %dma_start3A_442 : memref<1x!tpu.dma_semaphore, #tpu.memory_space<semaphore_mem>> -> memref<!tpu.dma_semaphore, #tpu.memory_space<semaphore_mem>>
          %dma_start3A_444 = arith.constant 0 : i32
          %dma_start3A_445 = arith.constant 0 : i32
          %dma_start3A_446 = arith.constant 0 : i32
          %dma_start3A_447 = tpu.memref_slice %run_scoped3A[%rem3A_428, %dma_start3A_444, %dma_start3A_445, %dma_start3A_446] : memref<2x1x16x2048xf32, #tpu.memory_space<vmem>> -> memref<1x1x16x2048xf32, #tpu.memory_space<vmem>>
          %dma_start3A_448 = tpu.memref_squeeze %dma_start3A_447 : memref<1x1x16x2048xf32, #tpu.memory_space<vmem>> -> memref<1x16x2048xf32, #tpu.memory_space<vmem>>
          %dma_start3A_449 = arith.constant 0 : i32
          %dma_start3A_450 = tpu.memref_slice %arg2[%mul3A_432, %mul3A_434, %dma_start3A_449] : memref<4x4096x2048xf32, #tpu.memory_space<hbm>> -> memref<1x16x2048xf32, #tpu.memory_space<hbm>>
          tpu.enqueue_dma source(%dma_start3A_450 : memref<1x16x2048xf32, #tpu.memory_space<hbm>>) target(%dma_start3A_448 : memref<1x16x2048xf32, #tpu.memory_space<vmem>>) target_semaphore(%dma_start3A_443 : memref<!tpu.dma_semaphore, #tpu.memory_space<semaphore_mem>>)
          "tpu.trace_stop"() : () -> ()
        } else {
        }
        %and3A_275 = arith.constant true
        %and3A_276 = arith.andi %and3A, %and3A_275 : i1
        %add3A_277 = arith.constant 1 : i32
        %add3A_278 = arith.addi %scan3A_196, %add3A_277 : i32
        %select_n3A_279 = arith.select %and3A_276, %add3A_278, %scan3A_196 : i32
        %ne3A_280 = arith.cmpi ne, %add3A_207, %add3A_243 : i32
        %ne3A_281 = arith.cmpi ne, %add3A_208, %add3A_244 : i32
        %or3A_282 = arith.constant false
        %or3A_283 = arith.ori %or3A_282, %ne3A_280 : i1
        %or3A_284 = arith.ori %or3A_283, %ne3A_281 : i1
        %or3A_285 = arith.constant false
        %or3A_286 = arith.ori %or3A_284, %or3A_285 : i1
        %ge3A_287 = arith.constant 7 : i32
        %ge3A_288 = arith.cmpi sge, %scan3A_195, %ge3A_287 : i32
        %not3A_289 = arith.constant true
        %not3A_290 = arith.xori %ge3A_288, %not3A_289 : i1
        %and3A_291 = arith.andi %or3A_286, %not3A_290 : i1
        %add3A_292 = arith.constant 192 : i32
        %add3A_293 = arith.addi %add3A_292, %add3A_208 : i32
        %add3A_294 = arith.constant 192 : i32
        %add3A_295 = arith.addi %add3A_294, %add3A_226 : i32
        %ne3A_296 = arith.cmpi ne, %add3A_207, %add3A_225 : i32
        %ne3A_297 = arith.cmpi ne, %add3A_293, %add3A_295 : i32
        %or3A_298 = arith.constant false
        %or3A_299 = arith.ori %or3A_298, %ne3A_296 : i1
        %or3A_300 = arith.ori %or3A_299, %ne3A_297 : i1
        %or3A_301 = arith.constant false
        %or3A_302 = arith.ori %or3A_300, %or3A_301 : i1
        %or3A_303 = arith.ori %or3A_302, %eq3A_203 : i1
        %convert_element_type3A_304 = arith.extui %or3A_303 : i1 to i32
        %cond3A_305 = arith.constant 0 : i32
        %cond3A_306 = arith.cmpi ne, %convert_element_type3A_304, %cond3A_305 : i32
        scf.if %cond3A_306 {
          "tpu.trace_start"() <{level = 10 : i32, message = "ep_wait_in"}> : () -> ()
          %add3A_427 = arith.constant 192 : i32
          %add3A_428 = arith.addi %add3A_427, %add3A_208 : i32
          %mul3A_429 = arith.constant 1 : i32
          %mul3A_430 = arith.muli %mul3A_429, %add3A_207 : i32
          %mul3A_431 = arith.constant 16 : i32
          %mul3A_432 = arith.muli %mul3A_431, %add3A_428 : i32
          %rem3A_433 = arith.constant 2 : i32
          %rem3A_434 = arith.remui %scan3A_197, %rem3A_433 : i32
          %dma_wait3A_435 = arith.constant 0 : i32
          %dma_wait3A_436 = arith.constant 0 : i32
          %dma_wait3A_437 = arith.constant 0 : i32
          %dma_wait3A_438 = tpu.memref_slice %run_scoped3A[%rem3A_434, %dma_wait3A_435, %dma_wait3A_436, %dma_wait3A_437] : memref<2x1x16x2048xf32, #tpu.memory_space<vmem>> -> memref<1x1x16x2048xf32, #tpu.memory_space<vmem>>
          %dma_wait3A_439 = tpu.memref_squeeze %dma_wait3A_438 : memref<1x1x16x2048xf32, #tpu.memory_space<vmem>> -> memref<1x16x2048xf32, #tpu.memory_space<vmem>>
          %dma_wait3A_440 = arith.constant 0 : i32
          %dma_wait3A_441 = tpu.memref_slice %arg2[%mul3A_430, %mul3A_432, %dma_wait3A_440] : memref<4x4096x2048xf32, #tpu.memory_space<hbm>> -> memref<1x16x2048xf32, #tpu.memory_space<hbm>>
          %dma_wait3A_442 = tpu.memref_slice %run_scoped3A_7[%rem3A_434] : memref<2x!tpu.dma_semaphore, #tpu.memory_space<semaphore_mem>> -> memref<1x!tpu.dma_semaphore, #tpu.memory_space<semaphore_mem>>
          %dma_wait3A_443 = tpu.memref_squeeze %dma_wait3A_442 : memref<1x!tpu.dma_semaphore, #tpu.memory_space<semaphore_mem>> -> memref<!tpu.dma_semaphore, #tpu.memory_space<semaphore_mem>>
          %dma_wait3A_444 = arith.constant 0 : i32
          %dma_wait3A_445 = arith.constant 0 : i32
          %dma_wait3A_446 = arith.constant 0 : i32
          %dma_wait3A_447 = tpu.memref_slice %run_scoped3A[%rem3A_434, %dma_wait3A_444, %dma_wait3A_445, %dma_wait3A_446] : memref<2x1x16x2048xf32, #tpu.memory_space<vmem>> -> memref<1x1x16x2048xf32, #tpu.memory_space<vmem>>
          %dma_wait3A_448 = tpu.memref_squeeze %dma_wait3A_447 : memref<1x1x16x2048xf32, #tpu.memory_space<vmem>> -> memref<1x16x2048xf32, #tpu.memory_space<vmem>>
          %dma_wait3A_449 = arith.constant 0 : i32
          %dma_wait3A_450 = tpu.memref_slice %arg2[%mul3A_430, %mul3A_432, %dma_wait3A_449] : memref<4x4096x2048xf32, #tpu.memory_space<hbm>> -> memref<1x16x2048xf32, #tpu.memory_space<hbm>>
          tpu.wait_dma2 semaphore(%dma_wait3A_443 : memref<!tpu.dma_semaphore, #tpu.memory_space<semaphore_mem>>) src(%dma_wait3A_450 : memref<1x16x2048xf32, #tpu.memory_space<hbm>>) dst(%dma_wait3A_448 : memref<1x16x2048xf32, #tpu.memory_space<vmem>>)
          "tpu.trace_stop"() : () -> ()
        } else {
        }
        %ne3A_307 = arith.cmpi ne, %add3A_207, %add3A_225 : i32
        %ne3A_308 = arith.cmpi ne, %add3A_208, %add3A_226 : i32
        %or3A_309 = arith.constant false
        %or3A_310 = arith.ori %or3A_309, %ne3A_307 : i1
        %or3A_311 = arith.ori %or3A_310, %ne3A_308 : i1
        %or3A_312 = arith.constant false
        %or3A_313 = arith.ori %or3A_311, %or3A_312 : i1
        %or3A_314 = arith.ori %or3A_313, %eq3A_203 : i1
        %convert_element_type3A_315 = arith.extui %or3A_314 : i1 to i32
        %cond3A_316 = arith.constant 0 : i32
        %cond3A_317 = arith.cmpi ne, %convert_element_type3A_315, %cond3A_316 : i32
        scf.if %cond3A_317 {
        } else {
        }
        %rem3A_318 = arith.constant 2 : i32
        %rem3A_319 = arith.remui %scan3A_197, %rem3A_318 : i32
        %rem3A_320 = arith.constant 2 : i32
        %rem3A_321 = arith.remui %scan3A_198, %rem3A_320 : i32
        "tpu.trace_start"() <{level = 10 : i32, message = "ep_run_kernel"}> : () -> ()
        %scan3A_322 = arith.constant 0 : i32
        %scan3A_323 = arith.constant 128 : i32
        %scan3A_324 = arith.addi %scan3A_322, %scan3A_323 : i32
        %scan3A_325 = arith.constant 1 : i32
        scf.for %scan3A_427 = %scan3A_322 to %scan3A_324 step %scan3A_325  : i32 {
          %mul3A_428 = arith.constant 16 : i32
          %mul3A_429 = arith.muli %scan3A_427, %mul3A_428 : i32
          %add3A_430 = arith.constant 0 : i32
          %add3A_431 = arith.addi %add3A_430, %mul3A_429 : i32
          %get3A = arith.constant 0 : i32
          %get3A_432 = arith.constant 0 : i32
          %get3A_433 = arith.constant 0 : i32
          %get3A_434 = arith.constant 0 : i32
          %get3A_435 = arith.constant 0 : i32
          %get3A_436 = tpu.memref_slice %run_scoped3A[%rem3A_319, %get3A_433, %get3A_434, %get3A_435] : memref<2x1x16x2048xf32, #tpu.memory_space<vmem>> -> memref<1x1x16x2048xf32, #tpu.memory_space<vmem>>
          %get3A_437 = tpu.memref_squeeze %get3A_436 : memref<1x1x16x2048xf32, #tpu.memory_space<vmem>> -> memref<1x16x2048xf32, #tpu.memory_space<vmem>>
          %get3A_438 = arith.index_cast %get3A : i32 to index
          %get3A_439 = arith.index_cast %get3A_432 : i32 to index
          %get3A_440 = arith.index_cast %add3A_431 : i32 to index
          %get3A_441 = tpu.vector_load %get3A_437[%get3A_438, %get3A_439, %get3A_440] {strides = array<i32>} : memref<1x16x2048xf32, #tpu.memory_space<vmem>>, vector<1x1x16xf32>,
          %get3A_442 = vector.shape_cast %get3A_441 : vector<1x1x16xf32> to vector<16xf32>
          %get3A_443 = arith.constant 0 : i32
          %get3A_444 = arith.constant 1 : i32
          %get3A_445 = arith.constant 0 : i32
          %get3A_446 = arith.constant 0 : i32
          %get3A_447 = arith.constant 0 : i32
          %get3A_448 = tpu.memref_slice %run_scoped3A[%rem3A_319, %get3A_445, %get3A_446, %get3A_447] : memref<2x1x16x2048xf32, #tpu.memory_space<vmem>> -> memref<1x1x16x2048xf32, #tpu.memory_space<vmem>>
          %get3A_449 = tpu.memref_squeeze %get3A_448 : memref<1x1x16x2048xf32, #tpu.memory_space<vmem>> -> memref<1x16x2048xf32, #tpu.memory_space<vmem>>
          %get3A_450 = arith.index_cast %get3A_443 : i32 to index
          %get3A_451 = arith.index_cast %get3A_444 : i32 to index
          %get3A_452 = arith.index_cast %add3A_431 : i32 to index
          %get3A_453 = tpu.vector_load %get3A_449[%get3A_450, %get3A_451, %get3A_452] {strides = array<i32>} : memref<1x16x2048xf32, #tpu.memory_space<vmem>>, vector<1x1x16xf32>,
          %get3A_454 = vector.shape_cast %get3A_453 : vector<1x1x16xf32> to vector<16xf32>
          %add3A_455 = arith.addf %get3A_442, %get3A_454 : vector<16xf32>
          %get3A_456 = arith.constant 0 : i32
          %get3A_457 = arith.constant 2 : i32
          %get3A_458 = arith.constant 0 : i32
          %get3A_459 = arith.constant 0 : i32
          %get3A_460 = arith.constant 0 : i32
          %get3A_461 = tpu.memref_slice %run_scoped3A[%rem3A_319, %get3A_458, %get3A_459, %get3A_460] : memref<2x1x16x2048xf32, #tpu.memory_space<vmem>> -> memref<1x1x16x2048xf32, #tpu.memory_space<vmem>>
          %get3A_462 = tpu.memref_squeeze %get3A_461 : memref<1x1x16x2048xf32, #tpu.memory_space<vmem>> -> memref<1x16x2048xf32, #tpu.memory_space<vmem>>
          %get3A_463 = arith.index_cast %get3A_456 : i32 to index
          %get3A_464 = arith.index_cast %get3A_457 : i32 to index
          %get3A_465 = arith.index_cast %add3A_431 : i32 to index
          %get3A_466 = tpu.vector_load %get3A_462[%get3A_463, %get3A_464, %get3A_465] {strides = array<i32>} : memref<1x16x2048xf32, #tpu.memory_space<vmem>>, vector<1x1x16xf32>,
          %get3A_467 = vector.shape_cast %get3A_466 : vector<1x1x16xf32> to vector<16xf32>
          %add3A_468 = arith.addf %add3A_455, %get3A_467 : vector<16xf32>
          %get3A_469 = arith.constant 0 : i32
          %get3A_470 = arith.constant 3 : i32
          %get3A_471 = arith.constant 0 : i32
          %get3A_472 = arith.constant 0 : i32
          %get3A_473 = arith.constant 0 : i32
          %get3A_474 = tpu.memref_slice %run_scoped3A[%rem3A_319, %get3A_471, %get3A_472, %get3A_473] : memref<2x1x16x2048xf32, #tpu.memory_space<vmem>> -> memref<1x1x16x2048xf32, #tpu.memory_space<vmem>>
          %get3A_475 = tpu.memref_squeeze %get3A_474 : memref<1x1x16x2048xf32, #tpu.memory_space<vmem>> -> memref<1x16x2048xf32, #tpu.memory_space<vmem>>
          %get3A_476 = arith.index_cast %get3A_469 : i32 to index
          %get3A_477 = arith.index_cast %get3A_470 : i32 to index
          %get3A_478 = arith.index_cast %add3A_431 : i32 to index
          %get3A_479 = tpu.vector_load %get3A_475[%get3A_476, %get3A_477, %get3A_478] {strides = array<i32>} : memref<1x16x2048xf32, #tpu.memory_space<vmem>>, vector<1x1x16xf32>,
          %get3A_480 = vector.shape_cast %get3A_479 : vector<1x1x16xf32> to vector<16xf32>
          %add3A_481 = arith.addf %add3A_468, %get3A_480 : vector<16xf32>
          %get3A_482 = arith.constant 0 : i32
          %get3A_483 = arith.constant 4 : i32
          %get3A_484 = arith.constant 0 : i32
          %get3A_485 = arith.constant 0 : i32
          %get3A_486 = arith.constant 0 : i32
          %get3A_487 = tpu.memref_slice %run_scoped3A[%rem3A_319, %get3A_484, %get3A_485, %get3A_486] : memref<2x1x16x2048xf32, #tpu.memory_space<vmem>> -> memref<1x1x16x2048xf32, #tpu.memory_space<vmem>>
          %get3A_488 = tpu.memref_squeeze %get3A_487 : memref<1x1x16x2048xf32, #tpu.memory_space<vmem>> -> memref<1x16x2048xf32, #tpu.memory_space<vmem>>
          %get3A_489 = arith.index_cast %get3A_482 : i32 to index
          %get3A_490 = arith.index_cast %get3A_483 : i32 to index
          %get3A_491 = arith.index_cast %add3A_431 : i32 to index
          %get3A_492 = tpu.vector_load %get3A_488[%get3A_489, %get3A_490, %get3A_491] {strides = array<i32>} : memref<1x16x2048xf32, #tpu.memory_space<vmem>>, vector<1x1x16xf32>,
          %get3A_493 = vector.shape_cast %get3A_492 : vector<1x1x16xf32> to vector<16xf32>
          %add3A_494 = arith.addf %add3A_481, %get3A_493 : vector<16xf32>
          %get3A_495 = arith.constant 0 : i32
          %get3A_496 = arith.constant 5 : i32
          %get3A_497 = arith.constant 0 : i32
          %get3A_498 = arith.constant 0 : i32
          %get3A_499 = arith.constant 0 : i32
          %get3A_500 = tpu.memref_slice %run_scoped3A[%rem3A_319, %get3A_497, %get3A_498, %get3A_499] : memref<2x1x16x2048xf32, #tpu.memory_space<vmem>> -> memref<1x1x16x2048xf32, #tpu.memory_space<vmem>>
          %get3A_501 = tpu.memref_squeeze %get3A_500 : memref<1x1x16x2048xf32, #tpu.memory_space<vmem>> -> memref<1x16x2048xf32, #tpu.memory_space<vmem>>
          %get3A_502 = arith.index_cast %get3A_495 : i32 to index
          %get3A_503 = arith.index_cast %get3A_496 : i32 to index
          %get3A_504 = arith.index_cast %add3A_431 : i32 to index
          %get3A_505 = tpu.vector_load %get3A_501[%get3A_502, %get3A_503, %get3A_504] {strides = array<i32>} : memref<1x16x2048xf32, #tpu.memory_space<vmem>>, vector<1x1x16xf32>,
          %get3A_506 = vector.shape_cast %get3A_505 : vector<1x1x16xf32> to vector<16xf32>
          %add3A_507 = arith.addf %add3A_494, %get3A_506 : vector<16xf32>
          %get3A_508 = arith.constant 0 : i32
          %get3A_509 = arith.constant 6 : i32
          %get3A_510 = arith.constant 0 : i32
          %get3A_511 = arith.constant 0 : i32
          %get3A_512 = arith.constant 0 : i32
          %get3A_513 = tpu.memref_slice %run_scoped3A[%rem3A_319, %get3A_510, %get3A_511, %get3A_512] : memref<2x1x16x2048xf32, #tpu.memory_space<vmem>> -> memref<1x1x16x2048xf32, #tpu.memory_space<vmem>>
          %get3A_514 = tpu.memref_squeeze %get3A_513 : memref<1x1x16x2048xf32, #tpu.memory_space<vmem>> -> memref<1x16x2048xf32, #tpu.memory_space<vmem>>
          %get3A_515 = arith.index_cast %get3A_508 : i32 to index
          %get3A_516 = arith.index_cast %get3A_509 : i32 to index
          %get3A_517 = arith.index_cast %add3A_431 : i32 to index
          %get3A_518 = tpu.vector_load %get3A_514[%get3A_515, %get3A_516, %get3A_517] {strides = array<i32>} : memref<1x16x2048xf32, #tpu.memory_space<vmem>>, vector<1x1x16xf32>,
          %get3A_519 = vector.shape_cast %get3A_518 : vector<1x1x16xf32> to vector<16xf32>
          %add3A_520 = arith.addf %add3A_507, %get3A_519 : vector<16xf32>
          %get3A_521 = arith.constant 0 : i32
          %get3A_522 = arith.constant 7 : i32
          %get3A_523 = arith.constant 0 : i32
          %get3A_524 = arith.constant 0 : i32
          %get3A_525 = arith.constant 0 : i32
          %get3A_526 = tpu.memref_slice %run_scoped3A[%rem3A_319, %get3A_523, %get3A_524, %get3A_525] : memref<2x1x16x2048xf32, #tpu.memory_space<vmem>> -> memref<1x1x16x2048xf32, #tpu.memory_space<vmem>>
          %get3A_527 = tpu.memref_squeeze %get3A_526 : memref<1x1x16x2048xf32, #tpu.memory_space<vmem>> -> memref<1x16x2048xf32, #tpu.memory_space<vmem>>
          %get3A_528 = arith.index_cast %get3A_521 : i32 to index
          %get3A_529 = arith.index_cast %get3A_522 : i32 to index
          %get3A_530 = arith.index_cast %add3A_431 : i32 to index
          %get3A_531 = tpu.vector_load %get3A_527[%get3A_528, %get3A_529, %get3A_530] {strides = array<i32>} : memref<1x16x2048xf32, #tpu.memory_space<vmem>>, vector<1x1x16xf32>,
          %get3A_532 = vector.shape_cast %get3A_531 : vector<1x1x16xf32> to vector<16xf32>
          %add3A_533 = arith.addf %add3A_520, %get3A_532 : vector<16xf32>
          %get3A_534 = arith.constant 0 : i32
          %get3A_535 = arith.constant 8 : i32
          %get3A_536 = arith.constant 0 : i32
          %get3A_537 = arith.constant 0 : i32
          %get3A_538 = arith.constant 0 : i32
          %get3A_539 = tpu.memref_slice %run_scoped3A[%rem3A_319, %get3A_536, %get3A_537, %get3A_538] : memref<2x1x16x2048xf32, #tpu.memory_space<vmem>> -> memref<1x1x16x2048xf32, #tpu.memory_space<vmem>>
          %get3A_540 = tpu.memref_squeeze %get3A_539 : memref<1x1x16x2048xf32, #tpu.memory_space<vmem>> -> memref<1x16x2048xf32, #tpu.memory_space<vmem>>
          %get3A_541 = arith.index_cast %get3A_534 : i32 to index
          %get3A_542 = arith.index_cast %get3A_535 : i32 to index
          %get3A_543 = arith.index_cast %add3A_431 : i32 to index
          %get3A_544 = tpu.vector_load %get3A_540[%get3A_541, %get3A_542, %get3A_543] {strides = array<i32>} : memref<1x16x2048xf32, #tpu.memory_space<vmem>>, vector<1x1x16xf32>,
          %get3A_545 = vector.shape_cast %get3A_544 : vector<1x1x16xf32> to vector<16xf32>
          %add3A_546 = arith.addf %add3A_533, %get3A_545 : vector<16xf32>
          %get3A_547 = arith.constant 0 : i32
          %get3A_548 = arith.constant 9 : i32
          %get3A_549 = arith.constant 0 : i32
          %get3A_550 = arith.constant 0 : i32
          %get3A_551 = arith.constant 0 : i32
          %get3A_552 = tpu.memref_slice %run_scoped3A[%rem3A_319, %get3A_549, %get3A_550, %get3A_551] : memref<2x1x16x2048xf32, #tpu.memory_space<vmem>> -> memref<1x1x16x2048xf32, #tpu.memory_space<vmem>>
          %get3A_553 = tpu.memref_squeeze %get3A_552 : memref<1x1x16x2048xf32, #tpu.memory_space<vmem>> -> memref<1x16x2048xf32, #tpu.memory_space<vmem>>
          %get3A_554 = arith.index_cast %get3A_547 : i32 to index
          %get3A_555 = arith.index_cast %get3A_548 : i32 to index
          %get3A_556 = arith.index_cast %add3A_431 : i32 to index
          %get3A_557 = tpu.vector_load %get3A_553[%get3A_554, %get3A_555, %get3A_556] {strides = array<i32>} : memref<1x16x2048xf32, #tpu.memory_space<vmem>>, vector<1x1x16xf32>,
          %get3A_558 = vector.shape_cast %get3A_557 : vector<1x1x16xf32> to vector<16xf32>
          %add3A_559 = arith.addf %add3A_546, %get3A_558 : vector<16xf32>
          %get3A_560 = arith.constant 0 : i32
          %get3A_561 = arith.constant 10 : i32
          %get3A_562 = arith.constant 0 : i32
          %get3A_563 = arith.constant 0 : i32
          %get3A_564 = arith.constant 0 : i32
          %get3A_565 = tpu.memref_slice %run_scoped3A[%rem3A_319, %get3A_562, %get3A_563, %get3A_564] : memref<2x1x16x2048xf32, #tpu.memory_space<vmem>> -> memref<1x1x16x2048xf32, #tpu.memory_space<vmem>>
          %get3A_566 = tpu.memref_squeeze %get3A_565 : memref<1x1x16x2048xf32, #tpu.memory_space<vmem>> -> memref<1x16x2048xf32, #tpu.memory_space<vmem>>
          %get3A_567 = arith.index_cast %get3A_560 : i32 to index
          %get3A_568 = arith.index_cast %get3A_561 : i32 to index
          %get3A_569 = arith.index_cast %add3A_431 : i32 to index
          %get3A_570 = tpu.vector_load %get3A_566[%get3A_567, %get3A_568, %get3A_569] {strides = array<i32>} : memref<1x16x2048xf32, #tpu.memory_space<vmem>>, vector<1x1x16xf32>,
          %get3A_571 = vector.shape_cast %get3A_570 : vector<1x1x16xf32> to vector<16xf32>
          %add3A_572 = arith.addf %add3A_559, %get3A_571 : vector<16xf32>
          %get3A_573 = arith.constant 0 : i32
          %get3A_574 = arith.constant 11 : i32
          %get3A_575 = arith.constant 0 : i32
          %get3A_576 = arith.constant 0 : i32
          %get3A_577 = arith.constant 0 : i32
          %get3A_578 = tpu.memref_slice %run_scoped3A[%rem3A_319, %get3A_575, %get3A_576, %get3A_577] : memref<2x1x16x2048xf32, #tpu.memory_space<vmem>> -> memref<1x1x16x2048xf32, #tpu.memory_space<vmem>>
          %get3A_579 = tpu.memref_squeeze %get3A_578 : memref<1x1x16x2048xf32, #tpu.memory_space<vmem>> -> memref<1x16x2048xf32, #tpu.memory_space<vmem>>
          %get3A_580 = arith.index_cast %get3A_573 : i32 to index
          %get3A_581 = arith.index_cast %get3A_574 : i32 to index
          %get3A_582 = arith.index_cast %add3A_431 : i32 to index
          %get3A_583 = tpu.vector_load %get3A_579[%get3A_580, %get3A_581, %get3A_582] {strides = array<i32>} : memref<1x16x2048xf32, #tpu.memory_space<vmem>>, vector<1x1x16xf32>,
          %get3A_584 = vector.shape_cast %get3A_583 : vector<1x1x16xf32> to vector<16xf32>
          %add3A_585 = arith.addf %add3A_572, %get3A_584 : vector<16xf32>
          %get3A_586 = arith.constant 0 : i32
          %get3A_587 = arith.constant 12 : i32
          %get3A_588 = arith.constant 0 : i32
          %get3A_589 = arith.constant 0 : i32
          %get3A_590 = arith.constant 0 : i32
          %get3A_591 = tpu.memref_slice %run_scoped3A[%rem3A_319, %get3A_588, %get3A_589, %get3A_590] : memref<2x1x16x2048xf32, #tpu.memory_space<vmem>> -> memref<1x1x16x2048xf32, #tpu.memory_space<vmem>>
          %get3A_592 = tpu.memref_squeeze %get3A_591 : memref<1x1x16x2048xf32, #tpu.memory_space<vmem>> -> memref<1x16x2048xf32, #tpu.memory_space<vmem>>
          %get3A_593 = arith.index_cast %get3A_586 : i32 to index
          %get3A_594 = arith.index_cast %get3A_587 : i32 to index
          %get3A_595 = arith.index_cast %add3A_431 : i32 to index
          %get3A_596 = tpu.vector_load %get3A_592[%get3A_593, %get3A_594, %get3A_595] {strides = array<i32>} : memref<1x16x2048xf32, #tpu.memory_space<vmem>>, vector<1x1x16xf32>,
          %get3A_597 = vector.shape_cast %get3A_596 : vector<1x1x16xf32> to vector<16xf32>
          %add3A_598 = arith.addf %add3A_585, %get3A_597 : vector<16xf32>
          %get3A_599 = arith.constant 0 : i32
          %get3A_600 = arith.constant 13 : i32
          %get3A_601 = arith.constant 0 : i32
          %get3A_602 = arith.constant 0 : i32
          %get3A_603 = arith.constant 0 : i32
          %get3A_604 = tpu.memref_slice %run_scoped3A[%rem3A_319, %get3A_601, %get3A_602, %get3A_603] : memref<2x1x16x2048xf32, #tpu.memory_space<vmem>> -> memref<1x1x16x2048xf32, #tpu.memory_space<vmem>>
          %get3A_605 = tpu.memref_squeeze %get3A_604 : memref<1x1x16x2048xf32, #tpu.memory_space<vmem>> -> memref<1x16x2048xf32, #tpu.memory_space<vmem>>
          %get3A_606 = arith.index_cast %get3A_599 : i32 to index
          %get3A_607 = arith.index_cast %get3A_600 : i32 to index
          %get3A_608 = arith.index_cast %add3A_431 : i32 to index
          %get3A_609 = tpu.vector_load %get3A_605[%get3A_606, %get3A_607, %get3A_608] {strides = array<i32>} : memref<1x16x2048xf32, #tpu.memory_space<vmem>>, vector<1x1x16xf32>,
          %get3A_610 = vector.shape_cast %get3A_609 : vector<1x1x16xf32> to vector<16xf32>
          %add3A_611 = arith.addf %add3A_598, %get3A_610 : vector<16xf32>
          %get3A_612 = arith.constant 0 : i32
          %get3A_613 = arith.constant 14 : i32
          %get3A_614 = arith.constant 0 : i32
          %get3A_615 = arith.constant 0 : i32
          %get3A_616 = arith.constant 0 : i32
          %get3A_617 = tpu.memref_slice %run_scoped3A[%rem3A_319, %get3A_614, %get3A_615, %get3A_616] : memref<2x1x16x2048xf32, #tpu.memory_space<vmem>> -> memref<1x1x16x2048xf32, #tpu.memory_space<vmem>>
          %get3A_618 = tpu.memref_squeeze %get3A_617 : memref<1x1x16x2048xf32, #tpu.memory_space<vmem>> -> memref<1x16x2048xf32, #tpu.memory_space<vmem>>
          %get3A_619 = arith.index_cast %get3A_612 : i32 to index
          %get3A_620 = arith.index_cast %get3A_613 : i32 to index
          %get3A_621 = arith.index_cast %add3A_431 : i32 to index
          %get3A_622 = tpu.vector_load %get3A_618[%get3A_619, %get3A_620, %get3A_621] {strides = array<i32>} : memref<1x16x2048xf32, #tpu.memory_space<vmem>>, vector<1x1x16xf32>,
          %get3A_623 = vector.shape_cast %get3A_622 : vector<1x1x16xf32> to vector<16xf32>
          %add3A_624 = arith.addf %add3A_611, %get3A_623 : vector<16xf32>
          %get3A_625 = arith.constant 0 : i32
          %get3A_626 = arith.constant 15 : i32
          %get3A_627 = arith.constant 0 : i32
          %get3A_628 = arith.constant 0 : i32
          %get3A_629 = arith.constant 0 : i32
          %get3A_630 = tpu.memref_slice %run_scoped3A[%rem3A_319, %get3A_627, %get3A_628, %get3A_629] : memref<2x1x16x2048xf32, #tpu.memory_space<vmem>> -> memref<1x1x16x2048xf32, #tpu.memory_space<vmem>>
          %get3A_631 = tpu.memref_squeeze %get3A_630 : memref<1x1x16x2048xf32, #tpu.memory_space<vmem>> -> memref<1x16x2048xf32, #tpu.memory_space<vmem>>
          %get3A_632 = arith.index_cast %get3A_625 : i32 to index
          %get3A_633 = arith.index_cast %get3A_626 : i32 to index
          %get3A_634 = arith.index_cast %add3A_431 : i32 to index
          %get3A_635 = tpu.vector_load %get3A_631[%get3A_632, %get3A_633, %get3A_634] {strides = array<i32>} : memref<1x16x2048xf32, #tpu.memory_space<vmem>>, vector<1x1x16xf32>,
          %get3A_636 = vector.shape_cast %get3A_635 : vector<1x1x16xf32> to vector<16xf32>
          %add3A_637 = arith.addf %add3A_624, %get3A_636 : vector<16xf32>
          %swap3A = arith.constant 0 : i32
          %swap3A_638 = arith.constant 0 : i32
          %swap3A_639 = arith.constant 0 : i32
          %swap3A_640 = arith.constant 0 : i32
          %swap3A_641 = arith.constant 0 : i32
          %swap3A_642 = tpu.memref_slice %run_scoped3A_8[%rem3A_321, %swap3A_639, %swap3A_640, %swap3A_641] : memref<2x1x1x2048xf32, #tpu.memory_space<vmem>> -> memref<1x1x1x2048xf32, #tpu.memory_space<vmem>>
          %swap3A_643 = tpu.memref_squeeze %swap3A_642 : memref<1x1x1x2048xf32, #tpu.memory_space<vmem>> -> memref<1x1x2048xf32, #tpu.memory_space<vmem>>
          %swap3A_644 = arith.index_cast %swap3A : i32 to index
          %swap3A_645 = arith.index_cast %swap3A_638 : i32 to index
          %swap3A_646 = arith.index_cast %add3A_431 : i32 to index
          %swap3A_647 = tpu.vector_load %swap3A_643[%swap3A_644, %swap3A_645, %swap3A_646] {strides = array<i32>} : memref<1x1x2048xf32, #tpu.memory_space<vmem>>, vector<1x1x16xf32>,
          %swap3A_648 = vector.shape_cast %swap3A_647 : vector<1x1x16xf32> to vector<16xf32>
          %swap3A_649 = vector.shape_cast %add3A_637 : vector<16xf32> to vector<1x1x16xf32>
          tpu.vector_store %swap3A_643[%swap3A_644, %swap3A_645, %swap3A_646], %swap3A_649 {strides = array<i32>} : memref<1x1x2048xf32, #tpu.memory_space<vmem>>, vector<1x1x16xf32>,
        }
        %scan3A_326 = arith.constant 128 : i32
        "tpu.trace_stop"() : () -> ()
        %add3A_327 = arith.constant 192 : i32
        %add3A_328 = arith.addi %add3A_327, %add3A_208 : i32
        %add3A_329 = arith.constant 192 : i32
        %add3A_330 = arith.addi %add3A_329, %add3A_244 : i32
        %ne3A_331 = arith.cmpi ne, %add3A_207, %add3A_243 : i32
        %ne3A_332 = arith.cmpi ne, %add3A_328, %add3A_330 : i32
        %or3A_333 = arith.constant false
        %or3A_334 = arith.ori %or3A_333, %ne3A_331 : i1
        %or3A_335 = arith.ori %or3A_334, %ne3A_332 : i1
        %or3A_336 = arith.constant false
        %or3A_337 = arith.ori %or3A_335, %or3A_336 : i1
        %or3A_338 = arith.ori %or3A_337, %eq3A_205 : i1
        %convert_element_type3A_339 = arith.extui %or3A_338 : i1 to i32
        %cond3A_340 = arith.constant 0 : i32
        %cond3A_341 = arith.cmpi ne, %convert_element_type3A_339, %cond3A_340 : i32
        scf.if %cond3A_341 {
        } else {
        }
        %and3A_342 = arith.constant false
        %and3A_343 = arith.andi %or3A_338, %and3A_342 : i1
        %ne3A_344 = arith.cmpi ne, %add3A_207, %add3A_243 : i32
        %ne3A_345 = arith.cmpi ne, %add3A_208, %add3A_244 : i32
        %or3A_346 = arith.constant false
        %or3A_347 = arith.ori %or3A_346, %ne3A_344 : i1
        %or3A_348 = arith.ori %or3A_347, %ne3A_345 : i1
        %or3A_349 = arith.constant false
        %or3A_350 = arith.ori %or3A_348, %or3A_349 : i1
        %or3A_351 = arith.ori %or3A_350, %eq3A_205 : i1
        %convert_element_type3A_352 = arith.extui %or3A_351 : i1 to i32
        %cond3A_353 = arith.constant 0 : i32
        %cond3A_354 = arith.cmpi ne, %convert_element_type3A_352, %cond3A_353 : i32
        scf.if %cond3A_354 {
          "tpu.trace_start"() <{level = 10 : i32, message = "ep_copy_out"}> : () -> ()
          %rem3A_427 = arith.constant 2 : i32
          %rem3A_428 = arith.remui %scan3A_198, %rem3A_427 : i32
          %mul3A_429 = arith.constant 1 : i32
          %mul3A_430 = arith.muli %mul3A_429, %add3A_207 : i32
          %mul3A_431 = arith.constant 1 : i32
          %mul3A_432 = arith.muli %mul3A_431, %add3A_208 : i32
          %dma_start3A_433 = arith.constant 0 : i32
          %dma_start3A_434 = arith.constant 0 : i32
          %dma_start3A_435 = arith.constant 0 : i32
          %dma_start3A_436 = tpu.memref_slice %run_scoped3A_8[%rem3A_428, %dma_start3A_433, %dma_start3A_434, %dma_start3A_435] : memref<2x1x1x2048xf32, #tpu.memory_space<vmem>> -> memref<1x1x1x2048xf32, #tpu.memory_space<vmem>>
          %dma_start3A_437 = tpu.memref_squeeze %dma_start3A_436 : memref<1x1x1x2048xf32, #tpu.memory_space<vmem>> -> memref<1x1x2048xf32, #tpu.memory_space<vmem>>
          %dma_start3A_438 = arith.constant 0 : i32
          %dma_start3A_439 = tpu.memref_slice %arg3[%mul3A_430, %mul3A_432, %dma_start3A_438] : memref<4x64x2048xf32, #tpu.memory_space<hbm>> -> memref<1x1x2048xf32, #tpu.memory_space<hbm>>
          %dma_start3A_440 = tpu.memref_slice %run_scoped3A_9[%rem3A_428] : memref<2x!tpu.dma_semaphore, #tpu.memory_space<semaphore_mem>> -> memref<1x!tpu.dma_semaphore, #tpu.memory_space<semaphore_mem>>
          %dma_start3A_441 = tpu.memref_squeeze %dma_start3A_440 : memref<1x!tpu.dma_semaphore, #tpu.memory_space<semaphore_mem>> -> memref<!tpu.dma_semaphore, #tpu.memory_space<semaphore_mem>>
          %dma_start3A_442 = arith.constant 0 : i32
          %dma_start3A_443 = tpu.memref_slice %arg3[%mul3A_430, %mul3A_432, %dma_start3A_442] : memref<4x64x2048xf32, #tpu.memory_space<hbm>> -> memref<1x1x2048xf32, #tpu.memory_space<hbm>>
          %dma_start3A_444 = arith.constant 0 : i32
          %dma_start3A_445 = arith.constant 0 : i32
          %dma_start3A_446 = arith.constant 0 : i32
          %dma_start3A_447 = tpu.memref_slice %run_scoped3A_8[%rem3A_428, %dma_start3A_444, %dma_start3A_445, %dma_start3A_446] : memref<2x1x1x2048xf32, #tpu.memory_space<vmem>> -> memref<1x1x1x2048xf32, #tpu.memory_space<vmem>>
          %dma_start3A_448 = tpu.memref_squeeze %dma_start3A_447 : memref<1x1x1x2048xf32, #tpu.memory_space<vmem>> -> memref<1x1x2048xf32, #tpu.memory_space<vmem>>
          tpu.enqueue_dma source(%dma_start3A_448 : memref<1x1x2048xf32, #tpu.memory_space<vmem>>) target(%dma_start3A_443 : memref<1x1x2048xf32, #tpu.memory_space<hbm>>) target_semaphore(%dma_start3A_441 : memref<!tpu.dma_semaphore, #tpu.memory_space<semaphore_mem>>)
          "tpu.trace_stop"() : () -> ()
        } else {
        }
        %and3A_355 = arith.constant true
        %and3A_356 = arith.andi %or3A_351, %and3A_355 : i1
        %add3A_357 = arith.constant 1 : i32
        %add3A_358 = arith.addi %scan3A_198, %add3A_357 : i32
        %select_n3A_359 = arith.select %and3A_356, %add3A_358, %scan3A_198 : i32
        %add3A_360 = arith.constant 192 : i32
        %add3A_361 = arith.addi %add3A_360, %add3A_208 : i32
        %add3A_362 = arith.constant 192 : i32
        %add3A_363 = arith.addi %add3A_362, %add3A_226 : i32
        %ne3A_364 = arith.cmpi ne, %add3A_207, %add3A_225 : i32
        %ne3A_365 = arith.cmpi ne, %add3A_361, %add3A_363 : i32
        %or3A_366 = arith.constant false
        %or3A_367 = arith.ori %or3A_366, %ne3A_364 : i1
        %or3A_368 = arith.ori %or3A_367, %ne3A_365 : i1
        %or3A_369 = arith.constant false
        %or3A_370 = arith.ori %or3A_368, %or3A_369 : i1
        %not3A_371 = arith.constant true
        %not3A_372 = arith.xori %eq3A_203, %not3A_371 : i1
        %and3A_373 = arith.andi %or3A_370, %not3A_372 : i1
        %convert_element_type3A_374 = arith.extui %and3A_373 : i1 to i32
        %cond3A_375 = arith.constant 0 : i32
        %cond3A_376 = arith.cmpi ne, %convert_element_type3A_374, %cond3A_375 : i32
        scf.if %cond3A_376 {
        } else {
        }
        %and3A_377 = arith.constant false
        %and3A_378 = arith.andi %and3A_373, %and3A_377 : i1
        %ne3A_379 = arith.cmpi ne, %add3A_207, %add3A_225 : i32
        %ne3A_380 = arith.cmpi ne, %add3A_208, %add3A_226 : i32
        %or3A_381 = arith.constant false
        %or3A_382 = arith.ori %or3A_381, %ne3A_379 : i1
        %or3A_383 = arith.ori %or3A_382, %ne3A_380 : i1
        %or3A_384 = arith.constant false
        %or3A_385 = arith.ori %or3A_383, %or3A_384 : i1
        %not3A_386 = arith.constant true
        %not3A_387 = arith.xori %eq3A_203, %not3A_386 : i1
        %and3A_388 = arith.andi %or3A_385, %not3A_387 : i1
        %convert_element_type3A_389 = arith.extui %and3A_388 : i1 to i32
        %cond3A_390 = arith.constant 0 : i32
        %cond3A_391 = arith.cmpi ne, %convert_element_type3A_389, %cond3A_390 : i32
        scf.if %cond3A_391 {
          "tpu.trace_start"() <{level = 10 : i32, message = "ep_wait_out"}> : () -> ()
          %rem3A_427 = arith.constant 2 : i32
          %rem3A_428 = arith.remui %scan3A_199, %rem3A_427 : i32
          %mul3A_429 = arith.constant 1 : i32
          %mul3A_430 = arith.muli %mul3A_429, %add3A_225 : i32
          %mul3A_431 = arith.constant 1 : i32
          %mul3A_432 = arith.muli %mul3A_431, %add3A_226 : i32
          %dma_wait3A_433 = arith.constant 0 : i32
          %dma_wait3A_434 = arith.constant 0 : i32
          %dma_wait3A_435 = arith.constant 0 : i32
          %dma_wait3A_436 = tpu.memref_slice %run_scoped3A_8[%rem3A_428, %dma_wait3A_433, %dma_wait3A_434, %dma_wait3A_435] : memref<2x1x1x2048xf32, #tpu.memory_space<vmem>> -> memref<1x1x1x2048xf32, #tpu.memory_space<vmem>>
          %dma_wait3A_437 = tpu.memref_squeeze %dma_wait3A_436 : memref<1x1x1x2048xf32, #tpu.memory_space<vmem>> -> memref<1x1x2048xf32, #tpu.memory_space<vmem>>
          %dma_wait3A_438 = arith.constant 0 : i32
          %dma_wait3A_439 = tpu.memref_slice %arg3[%mul3A_430, %mul3A_432, %dma_wait3A_438] : memref<4x64x2048xf32, #tpu.memory_space<hbm>> -> memref<1x1x2048xf32, #tpu.memory_space<hbm>>
          %dma_wait3A_440 = tpu.memref_slice %run_scoped3A_9[%rem3A_428] : memref<2x!tpu.dma_semaphore, #tpu.memory_space<semaphore_mem>> -> memref<1x!tpu.dma_semaphore, #tpu.memory_space<semaphore_mem>>
          %dma_wait3A_441 = tpu.memref_squeeze %dma_wait3A_440 : memref<1x!tpu.dma_semaphore, #tpu.memory_space<semaphore_mem>> -> memref<!tpu.dma_semaphore, #tpu.memory_space<semaphore_mem>>
          %dma_wait3A_442 = arith.constant 0 : i32
          %dma_wait3A_443 = tpu.memref_slice %arg3[%mul3A_430, %mul3A_432, %dma_wait3A_442] : memref<4x64x2048xf32, #tpu.memory_space<hbm>> -> memref<1x1x2048xf32, #tpu.memory_space<hbm>>
          %dma_wait3A_444 = arith.constant 0 : i32
          %dma_wait3A_445 = arith.constant 0 : i32
          %dma_wait3A_446 = arith.constant 0 : i32
          %dma_wait3A_447 = tpu.memref_slice %run_scoped3A_8[%rem3A_428, %dma_wait3A_444, %dma_wait3A_445, %dma_wait3A_446] : memref<2x1x1x2048xf32, #tpu.memory_space<vmem>> -> memref<1x1x1x2048xf32, #tpu.memory_space<vmem>>
          %dma_wait3A_448 = tpu.memref_squeeze %dma_wait3A_447 : memref<1x1x1x2048xf32, #tpu.memory_space<vmem>> -> memref<1x1x2048xf32, #tpu.memory_space<vmem>>
          tpu.wait_dma2 semaphore(%dma_wait3A_441 : memref<!tpu.dma_semaphore, #tpu.memory_space<semaphore_mem>>) src(%dma_wait3A_448 : memref<1x1x2048xf32, #tpu.memory_space<vmem>>) dst(%dma_wait3A_443 : memref<1x1x2048xf32, #tpu.memory_space<hbm>>)
          "tpu.trace_stop"() : () -> ()
        } else {
        }
        %and3A_392 = arith.constant true
        %and3A_393 = arith.andi %and3A_388, %and3A_392 : i1
        %add3A_394 = arith.constant 1 : i32
        %add3A_395 = arith.addi %scan3A_199, %add3A_394 : i32
        %select_n3A_396 = arith.select %and3A_393, %add3A_395, %scan3A_199 : i32
        %add3A_397 = arith.constant 192 : i32
        %add3A_398 = arith.addi %add3A_397, %add3A_208 : i32
        %add3A_399 = arith.constant 192 : i32
        %add3A_400 = arith.addi %add3A_399, %add3A_244 : i32
        %ne3A_401 = arith.cmpi ne, %add3A_207, %add3A_243 : i32
        %ne3A_402 = arith.cmpi ne, %add3A_398, %add3A_400 : i32
        %or3A_403 = arith.constant false
        %or3A_404 = arith.ori %or3A_403, %ne3A_401 : i1
        %or3A_405 = arith.ori %or3A_404, %ne3A_402 : i1
        %or3A_406 = arith.constant false
        %or3A_407 = arith.ori %or3A_405, %or3A_406 : i1
        %or3A_408 = arith.ori %or3A_407, %eq3A_205 : i1
        %add3A_409 = arith.constant 1 : i32
        %add3A_410 = arith.addi %scan3A_197, %add3A_409 : i32
        %select_n3A_411 = arith.select %or3A_408, %add3A_410, %scan3A_197 : i32
        %add3A_412 = arith.constant 1 : i32
        %add3A_413 = arith.addi %scan3A_201, %add3A_412 : i32
        %select_n3A_414 = arith.constant true
        %select_n3A_415 = arith.select %select_n3A_414, %add3A_413, %scan3A_201 : i32
        %eq3A_416 = arith.constant 2 : i32
        %eq3A_417 = arith.cmpi eq, %select_n3A_415, %eq3A_416 : i32
        %select_n3A_418 = arith.constant 0 : i32
        %select_n3A_419 = arith.select %eq3A_417, %select_n3A_418, %select_n3A_415 : i32
        %add3A_420 = arith.constant 1 : i32
        %add3A_421 = arith.addi %scan3A_200, %add3A_420 : i32
        %select_n3A_422 = arith.select %eq3A_417, %add3A_421, %scan3A_200 : i32
        %eq3A_423 = arith.constant 4 : i32
        %eq3A_424 = arith.cmpi eq, %select_n3A_422, %eq3A_423 : i32
        %select_n3A_425 = arith.constant 0 : i32
        %select_n3A_426 = arith.select %eq3A_424, %select_n3A_425, %select_n3A_422 : i32
        scf.yield %select_n3A_279, %select_n3A_411, %select_n3A_359, %select_n3A_396, %select_n3A_426, %select_n3A_419 : i32, i32, i32, i32, i32, i32
      }
      %scan3A_102 = arith.constant 8 : i32
      %sub3A = arith.constant 1 : i32
      %sub3A_103 = arith.subi %scan3A_101#5, %sub3A : i32
      %select_n3A_104 = arith.constant true
      %select_n3A_105 = arith.select %select_n3A_104, %sub3A_103, %scan3A_101#5 : i32
      %eq3A_106 = arith.constant -1 : i32
      %eq3A_107 = arith.cmpi eq, %select_n3A_105, %eq3A_106 : i32
      %select_n3A_108 = arith.constant 1 : i32
      %select_n3A_109 = arith.select %eq3A_107, %select_n3A_108, %select_n3A_105 : i32
      %sub3A_110 = arith.constant 1 : i32
      %sub3A_111 = arith.subi %scan3A_101#4, %sub3A_110 : i32
      %select_n3A_112 = arith.select %eq3A_107, %sub3A_111, %scan3A_101#4 : i32
      %eq3A_113 = arith.constant -1 : i32
      %eq3A_114 = arith.cmpi eq, %select_n3A_112, %eq3A_113 : i32
      %select_n3A_115 = arith.constant 3 : i32
      %select_n3A_116 = arith.select %eq3A_114, %select_n3A_115, %select_n3A_112 : i32
      %add3A_117 = arith.constant 0 : i32
      %add3A_118 = arith.addi %select_n3A_116, %add3A_117 : i32
      %add3A_119 = arith.addi %select_n3A_109, %mul3A_6 : i32
      %sub3A_120 = arith.constant 1 : i32
      %sub3A_121 = arith.subi %select_n3A_109, %sub3A_120 : i32
      %select_n3A_122 = arith.constant true
      %select_n3A_123 = arith.select %select_n3A_122, %sub3A_121, %select_n3A_109 : i32
      %eq3A_124 = arith.constant -1 : i32
      %eq3A_125 = arith.cmpi eq, %select_n3A_123, %eq3A_124 : i32
      %select_n3A_126 = arith.constant 1 : i32
      %select_n3A_127 = arith.select %eq3A_125, %select_n3A_126, %select_n3A_123 : i32
      %sub3A_128 = arith.constant 1 : i32
      %sub3A_129 = arith.subi %select_n3A_116, %sub3A_128 : i32
      %select_n3A_130 = arith.select %eq3A_125, %sub3A_129, %select_n3A_116 : i32
      %eq3A_131 = arith.constant -1 : i32
      %eq3A_132 = arith.cmpi eq, %select_n3A_130, %eq3A_131 : i32
      %select_n3A_133 = arith.constant 3 : i32
      %select_n3A_134 = arith.select %eq3A_132, %select_n3A_133, %select_n3A_130 : i32
      %add3A_135 = arith.constant 0 : i32
      %add3A_136 = arith.addi %select_n3A_134, %add3A_135 : i32
      %add3A_137 = arith.addi %select_n3A_127, %mul3A_6 : i32
      %add3A_138 = arith.constant 1 : i32
      %add3A_139 = arith.addi %select_n3A_109, %add3A_138 : i32
      %select_n3A_140 = arith.constant true
      %select_n3A_141 = arith.select %select_n3A_140, %add3A_139, %select_n3A_109 : i32
      %eq3A_142 = arith.constant 2 : i32
      %eq3A_143 = arith.cmpi eq, %select_n3A_141, %eq3A_142 : i32
      %select_n3A_144 = arith.constant 0 : i32
      %select_n3A_145 = arith.select %eq3A_143, %select_n3A_144, %select_n3A_141 : i32
      %add3A_146 = arith.constant 1 : i32
      %add3A_147 = arith.addi %select_n3A_116, %add3A_146 : i32
      %select_n3A_148 = arith.select %eq3A_143, %add3A_147, %select_n3A_116 : i32
      %eq3A_149 = arith.constant 4 : i32
      %eq3A_150 = arith.cmpi eq, %select_n3A_148, %eq3A_149 : i32
      %select_n3A_151 = arith.constant 0 : i32
      %select_n3A_152 = arith.select %eq3A_150, %select_n3A_151, %select_n3A_148 : i32
      %add3A_153 = arith.constant 0 : i32
      %add3A_154 = arith.addi %select_n3A_152, %add3A_153 : i32
      %add3A_155 = arith.addi %select_n3A_145, %mul3A_6 : i32
      %add3A_156 = arith.constant 1 : i32
      %add3A_157 = arith.addi %select_n3A_145, %add3A_156 : i32
      %select_n3A_158 = arith.constant true
      %select_n3A_159 = arith.select %select_n3A_158, %add3A_157, %select_n3A_145 : i32
      %eq3A_160 = arith.constant 2 : i32
      %eq3A_161 = arith.cmpi eq, %select_n3A_159, %eq3A_160 : i32
      %select_n3A_162 = arith.constant 0 : i32
      %select_n3A_163 = arith.select %eq3A_161, %select_n3A_162, %select_n3A_159 : i32
      %add3A_164 = arith.constant 1 : i32
      %add3A_165 = arith.addi %select_n3A_152, %add3A_164 : i32
      %select_n3A_166 = arith.select %eq3A_161, %add3A_165, %select_n3A_152 : i32
      %eq3A_167 = arith.constant 4 : i32
      %eq3A_168 = arith.cmpi eq, %select_n3A_166, %eq3A_167 : i32
      %select_n3A_169 = arith.constant 0 : i32
      %select_n3A_170 = arith.select %eq3A_168, %select_n3A_169, %select_n3A_166 : i32
      %add3A_171 = arith.constant 0 : i32
      %add3A_172 = arith.addi %select_n3A_170, %add3A_171 : i32
      %add3A_173 = arith.addi %select_n3A_163, %mul3A_6 : i32
      "tpu.trace_start"() <{level = 10 : i32, message = "ep_finalize"}> : () -> ()
      %rem3A_174 = arith.constant 2 : i32
      %rem3A_175 = arith.remui %scan3A_101#3, %rem3A_174 : i32
      %mul3A_176 = arith.constant 1 : i32
      %mul3A_177 = arith.muli %mul3A_176, %add3A_118 : i32
      %mul3A_178 = arith.constant 1 : i32
      %mul3A_179 = arith.muli %mul3A_178, %add3A_119 : i32
      %dma_wait3A = arith.constant 0 : i32
      %dma_wait3A_180 = arith.constant 0 : i32
      %dma_wait3A_181 = arith.constant 0 : i32
      %dma_wait3A_182 = tpu.memref_slice %run_scoped3A_8[%rem3A_175, %dma_wait3A, %dma_wait3A_180, %dma_wait3A_181] : memref<2x1x1x2048xf32, #tpu.memory_space<vmem>> -> memref<1x1x1x2048xf32, #tpu.memory_space<vmem>>
      %dma_wait3A_183 = tpu.memref_squeeze %dma_wait3A_182 : memref<1x1x1x2048xf32, #tpu.memory_space<vmem>> -> memref<1x1x2048xf32, #tpu.memory_space<vmem>>
      %dma_wait3A_184 = arith.constant 0 : i32
      %dma_wait3A_185 = tpu.memref_slice %arg3[%mul3A_177, %mul3A_179, %dma_wait3A_184] : memref<4x64x2048xf32, #tpu.memory_space<hbm>> -> memref<1x1x2048xf32, #tpu.memory_space<hbm>>
      %dma_wait3A_186 = tpu.memref_slice %run_scoped3A_9[%rem3A_175] : memref<2x!tpu.dma_semaphore, #tpu.memory_space<semaphore_mem>> -> memref<1x!tpu.dma_semaphore, #tpu.memory_space<semaphore_mem>>
      %dma_wait3A_187 = tpu.memref_squeeze %dma_wait3A_186 : memref<1x!tpu.dma_semaphore, #tpu.memory_space<semaphore_mem>> -> memref<!tpu.dma_semaphore, #tpu.memory_space<semaphore_mem>>
      %dma_wait3A_188 = arith.constant 0 : i32
      %dma_wait3A_189 = tpu.memref_slice %arg3[%mul3A_177, %mul3A_179, %dma_wait3A_188] : memref<4x64x2048xf32, #tpu.memory_space<hbm>> -> memref<1x1x2048xf32, #tpu.memory_space<hbm>>
      %dma_wait3A_190 = arith.constant 0 : i32
      %dma_wait3A_191 = arith.constant 0 : i32
      %dma_wait3A_192 = arith.constant 0 : i32
      %dma_wait3A_193 = tpu.memref_slice %run_scoped3A_8[%rem3A_175, %dma_wait3A_190, %dma_wait3A_191, %dma_wait3A_192] : memref<2x1x1x2048xf32, #tpu.memory_space<vmem>> -> memref<1x1x1x2048xf32, #tpu.memory_space<vmem>>
      %dma_wait3A_194 = tpu.memref_squeeze %dma_wait3A_193 : memref<1x1x1x2048xf32, #tpu.memory_space<vmem>> -> memref<1x1x2048xf32, #tpu.memory_space<vmem>>
      tpu.wait_dma2 semaphore(%dma_wait3A_187 : memref<!tpu.dma_semaphore, #tpu.memory_space<semaphore_mem>>) src(%dma_wait3A_194 : memref<1x1x2048xf32, #tpu.memory_space<vmem>>) dst(%dma_wait3A_189 : memref<1x1x2048xf32, #tpu.memory_space<hbm>>)
      "tpu.trace_stop"() : () -> ()
      tpu.yield
    }) : () -> ()
    return
  }
}

module attributes {stable_mosaic.version = 14 : i64} {
  func.func @_finalize_kernel(%arg0: memref<4x1x2048xf32, #tpu.memory_space<vmem>>, %arg1: memref<4x64x2048xf32, #tpu.memory_space<vmem>>, %arg2: memref<2048x16xf32, #tpu.memory_space<vmem>>, %arg3: memref<1x16xf32, #tpu.memory_space<vmem>>, %arg4: memref<4x2xf32, #tpu.memory_space<vmem>>, %arg5: memref<4x2xi32, #tpu.memory_space<vmem>>, %arg6: memref<4x16xf32, #tpu.memory_space<vmem>>) attributes {dimension_semantics = [], scalar_prefetch = 0 : i64, scratch_operands = 0 : i64, tpu.core_type = #tpu.core_type<tc>} {
    %get3A = arith.constant 0 : index
    %get3A_0 = arith.constant 0 : index
    %get3A_1 = arith.constant 0 : index
    %get3A_2 = vector.load %arg0[%get3A, %get3A_0, %get3A_1] : memref<4x1x2048xf32, #tpu.memory_space<vmem>>, vector<4x1x2048xf32>
    %get3A_3 = vector.shape_cast %get3A_2 : vector<4x1x2048xf32> to vector<4x2048xf32>
    %get3A_4 = arith.constant 0 : index
    %get3A_5 = arith.constant 0 : index
    %get3A_6 = arith.constant 0 : index
    %get3A_7 = vector.load %arg1[%get3A_4, %get3A_5, %get3A_6] : memref<4x64x2048xf32, #tpu.memory_space<vmem>>, vector<4x64x2048xf32>
    %reduce_sum3A = arith.constant dense<0.000000e+00> : vector<4x2048xf32>
    %reduce_sum3A_8 = vector.multi_reduction <add>, %get3A_7, %reduce_sum3A [1] : vector<4x64x2048xf32> to vector<4x2048xf32>
    %add3A = arith.addf %get3A_3, %reduce_sum3A_8 : vector<4x2048xf32>
    %mul3A = arith.constant 2.44140625E-4 : f32
    %mul3A_9 = vector.broadcast %mul3A : f32 to vector<4x2048xf32>
    %mul3A_10 = arith.mulf %add3A, %mul3A_9 : vector<4x2048xf32>
    %get3A_11 = arith.constant 0 : index
    %get3A_12 = arith.constant 0 : index
    %get3A_13 = vector.load %arg2[%get3A_11, %get3A_12] : memref<2048x16xf32, #tpu.memory_space<vmem>>, vector<2048x16xf32>
    %dot_general3A = arith.constant dense<0.000000e+00> : vector<4x16xf32>
    %dot_general3A_14 = tpu.matmul %mul3A_10, %get3A_13, %dot_general3A {dimension_numbers = #tpu.dot_dimension_numbers<[1], [0], [0], [1], [0, 0, 1, 1], [], []>, transpose_lhs_hint = false} : vector<4x2048xf32>, vector<2048x16xf32>, vector<4x16xf32> -> vector<4x16xf32>
    %get3A_15 = arith.constant 0 : index
    %get3A_16 = arith.constant 0 : index
    %get3A_17 = vector.load %arg3[%get3A_15, %get3A_16] : memref<1x16xf32, #tpu.memory_space<vmem>>, vector<1x16xf32>
    %get3A_18 = vector.shape_cast %get3A_17 : vector<1x16xf32> to vector<16xf32>
    %broadcast_in_dim3A = vector.shape_cast %get3A_18 : vector<16xf32> to vector<1x16xf32>
    %add3A_19 = vector.broadcast %broadcast_in_dim3A : vector<1x16xf32> to vector<4x16xf32>
    %add3A_20 = arith.addf %dot_general3A_14, %add3A_19 : vector<4x16xf32>
    %reduce_max3A = arith.constant dense<0xFF800000> : vector<4xf32>
    %reduce_max3A_21 = vector.multi_reduction <maximumf>, %add3A_20, %reduce_max3A [1] : vector<4x16xf32> to vector<4xf32>
    %broadcast_in_dim3A_22 = vector.shape_cast %reduce_max3A_21 : vector<4xf32> to vector<4x1xf32>
    %sub3A = vector.broadcast %broadcast_in_dim3A_22 : vector<4x1xf32> to vector<4x16xf32>
    %sub3A_23 = arith.subf %add3A_20, %sub3A : vector<4x16xf32>
    %exp3A = math.exp %sub3A_23 : vector<4x16xf32>
    %reduce_sum3A_24 = arith.constant dense<0.000000e+00> : vector<4xf32>
    %reduce_sum3A_25 = vector.multi_reduction <add>, %exp3A, %reduce_sum3A_24 [1] : vector<4x16xf32> to vector<4xf32>
    %broadcast_in_dim3A_26 = vector.shape_cast %reduce_sum3A_25 : vector<4xf32> to vector<4x1xf32>
    %div3A = vector.broadcast %broadcast_in_dim3A_26 : vector<4x1xf32> to vector<4x16xf32>
    %div3A_27 = arith.divf %exp3A, %div3A : vector<4x16xf32>
    %swap3A = arith.constant 0 : index
    %swap3A_28 = arith.constant 0 : index
    %swap3A_29 = vector.load %arg6[%swap3A, %swap3A_28] : memref<4x16xf32, #tpu.memory_space<vmem>>, vector<4x16xf32>
    tpu.vector_store %arg6[%swap3A, %swap3A_28], %div3A_27 {strides = array<i32>} : memref<4x16xf32, #tpu.memory_space<vmem>>, vector<4x16xf32>,
    %iota3A = tpu.iota {dimensions = array<i32: 1>} : vector<4x16xi32>
    %argmax3A = tpu.reduce_index %div3A_27 {axis = 1 : i32, kind = #tpu.reduction_kind<arg_max>} : vector<4x16xf32> -> vector<4xi32>
    %reduce_max3A_30 = arith.constant dense<0xFF800000> : vector<4xf32>
    %reduce_max3A_31 = vector.multi_reduction <maximumf>, %div3A_27, %reduce_max3A_30 [1] : vector<4x16xf32> to vector<4xf32>
    %broadcast_in_dim3A_32 = vector.shape_cast %argmax3A : vector<4xi32> to vector<4x1xi32>
    %eq3A = vector.broadcast %broadcast_in_dim3A_32 : vector<4x1xi32> to vector<4x16xi32>
    %eq3A_33 = arith.cmpi eq, %iota3A, %eq3A : vector<4x16xi32>
    %jit3A = arith.constant 0xFF800000 : f32
    %broadcast_in_dim3A_34 = vector.broadcast %jit3A : f32 to vector<4x16xf32>
    %select_n3A = arith.select %eq3A_33, %broadcast_in_dim3A_34, %div3A_27 : vector<4x16xi1>, vector<4x16xf32>
    %argmax3A_35 = tpu.reduce_index %select_n3A {axis = 1 : i32, kind = #tpu.reduction_kind<arg_max>} : vector<4x16xf32> -> vector<4xi32>
    %reduce_max3A_36 = arith.constant dense<0xFF800000> : vector<4xf32>
    %reduce_max3A_37 = vector.multi_reduction <maximumf>, %select_n3A, %reduce_max3A_36 [1] : vector<4x16xf32> to vector<4xf32>
    %add3A_38 = arith.addf %reduce_max3A_31, %reduce_max3A_37 : vector<4xf32>
    %add3A_39 = arith.constant 1.000000e-10 : f32
    %add3A_40 = vector.broadcast %add3A_39 : f32 to vector<4xf32>
    %add3A_41 = arith.addf %add3A_38, %add3A_40 : vector<4xf32>
    %div3A_42 = arith.constant 1.000000e+00 : f32
    %div3A_43 = vector.broadcast %div3A_42 : f32 to vector<4xf32>
    %div3A_44 = arith.divf %div3A_43, %add3A_41 : vector<4xf32>
    %mul3A_45 = arith.mulf %reduce_max3A_31, %div3A_44 : vector<4xf32>
    %mul3A_46 = arith.mulf %reduce_max3A_37, %div3A_44 : vector<4xf32>
    %stack3A = vector.shape_cast %mul3A_45 : vector<4xf32> to vector<4x1xf32>
    %stack3A_47 = vector.shape_cast %mul3A_46 : vector<4xf32> to vector<4x1xf32>
    %stack3A_48 = tpu.concatenate %stack3A, %stack3A_47 in 1 : vector<4x1xf32>, vector<4x1xf32> -> vector<4x2xf32>
    %swap3A_49 = arith.constant 0 : index
    %swap3A_50 = arith.constant 0 : index
    %swap3A_51 = vector.load %arg4[%swap3A_49, %swap3A_50] : memref<4x2xf32, #tpu.memory_space<vmem>>, vector<4x2xf32>
    tpu.vector_store %arg4[%swap3A_49, %swap3A_50], %stack3A_48 {strides = array<i32>} : memref<4x2xf32, #tpu.memory_space<vmem>>, vector<4x2xf32>,
    %stack3A_52 = vector.shape_cast %argmax3A : vector<4xi32> to vector<4x1xi32>
    %stack3A_53 = vector.shape_cast %argmax3A_35 : vector<4xi32> to vector<4x1xi32>
    %stack3A_54 = tpu.concatenate %stack3A_52, %stack3A_53 in 1 : vector<4x1xi32>, vector<4x1xi32> -> vector<4x2xi32>
    %swap3A_55 = arith.constant 0 : index
    %swap3A_56 = arith.constant 0 : index
    %swap3A_57 = vector.load %arg5[%swap3A_55, %swap3A_56] : memref<4x2xi32, #tpu.memory_space<vmem>>, vector<4x2xi32>
    tpu.vector_store %arg5[%swap3A_55, %swap3A_56], %stack3A_54 {strides = array<i32>} : memref<4x2xi32, #tpu.memory_space<vmem>>, vector<4x2xi32>,
    return
  }
}

</mosaic_0001>

<sc_bundles>
// kernel: kernel.4.cloned.1.call-start
scs
__scs_entry_jumppad:
0x0: {  	(pc) =	sbr.rel $0x88, $3  }
0x1: {  	(tag) =	ssettag $0x0;
	lr =	simm.s32 $0x1  }
0x2: {  	[smem:$0x3F9E] =	sst lr;
	_ =	strace $0xD0000000  }
0x3: {  	_ = 	snop  }
0x4: {  	_ = 	snop  }
0x5: {  	_ = 	snop  }
0x6: {  	_ = 	snop  }
0x7: {  	_ = 	snop  }
__scs_overlays_trampoline_lowered:
0x8: {  	[smem:$0x3FAD] =	sst s0  }
0x9: {  	[smem:$0x3FAE] =	sst s1  }
0xa: {  	[smem:$0x3FAF] =	sst s2  }
0xb: {  	[smem:$0x3FB0] =	sst s3  }
0xc: {  	[smem:$0x3FB1] =	sst s4  }
0xd: {  	[smem:$0x3FB2] =	sst s5  }
0xe: {  	[smem:$0x3FB3] =	sst s6  }
0xf: {  	[smem:$0x3FB4] =	sst s7  }
0x10: {  	[smem:$0x3FB5] =	sst s8  }
0x11: {  	[smem:$0x3FB6] =	sst s9;
	s0 =	simm.s32 @!p0 $0x0  }
0x12: {  	s1 =	sld [smem:$0x3F9C];
	s0 =	simm.s32 @p0 $0x1  }
0x13: {  	[smem:$0x3FB7] =	sst s0;
	s0 =	simm.s32 @!p1 $0x0  }
0x14: {  	s2 =	sld [smem:$0x3F9B];
	s0 =	simm.s32 @p1 $0x1  }
0x15: {  	[smem:$0x3FB8] =	sst s0;
	s0 =	simm.s32 @!p2 $0x0  }
0x16: {  	s3 =	sld [smem:$0x3FDB];
	s0 =	simm.s32 @p2 $0x1  }
0x17: {  	s4 =	simm.s32 $0x1BF5;
	[smem:$0x3FBA] =	sst s0  }
0x18: {  	s0 =	sld [smem:$0x3F9D];
	_ =	swait.ge [sflag:s4], $0x0  }
0x19: {  	s7 =	sld [smem:$0x3F9E]  }
0x1a: {  	s8 =	sadd.s32 $0xFFFFE003, lr  }
0x1b: {  	s9 =	sadd.s32 $0xFFFFFEF7, lr;
	s5 =	simm.s32 $0xFFFFFFFF;
	p2 =	slt.u32 s8, $0xFFFFF086  }
0x1c: {  	p1 =	slt.u32 s9, $0xF7A;
	s5 =	simm.s32 @!p2 $0x0  }
0x1d: {  	s5 =	simm.s32 @p1 $0x1;
	p0 =	seq.s32 s7, s2  }
0x1e: {  	s7 =	smul.u32 @!p0 $0xF7A, s2;
	p2 =	seq.s32 @!p0 s5, $0x0  }
0x1f: {  	s9 =	smul.u32 $0xF7A, s1;
	s8 =	simm.s32 @!p0 $0x1BF5;
	p2 =	por !p2, p0  }
0x20: {  	[sflag:s8] =	ssyncset.s32 @!p0 $0xFFFFF086;
	s6 =	sadd.s32 @!p0 s3, s7;
	s7 =	simm.s32 @!p0 $0x108  }
0x21: {  	s3 =	sadd.s32 s3, s9;
	s6 =	sadd.s32 @!p0 $0x88, s6;
	s7 =	simm.s32 @p2 $0x1082  }
0x22: {  	[simem:s7], [sflag:s8] =	dma.local @!p0 [hbm:s6], $0xF7A  }
0x23: {  	s9 =	sor.u32 $0xD0000000, s2;
	s6 =	simm.s32 $0x108;
	_ =	swait.ge @!p0 [sflag:s8], $0x0  }
0x24: {  	s3 =	sadd.s32 $0x88, s3;
	s6 =	simm.s32 @!p1 $0x1082;
	[sflag:s4] =	ssyncset.s32 $0xFFFFF086  }
0x25: {  	[simem:s6], [sflag:s4] =	dma.local [hbm:s3], $0xF7A  }
0x26: {  	[smem:$0x3F9E] =	sst s1;
	(tag) =	ssettag s2;
	_ =	strace s9  }
0x27: {  	s1 =	sld [smem:$0x3FAE]  }
0x28: {  	s2 =	sld [smem:$0x3FAF]  }
0x29: {  	s4 =	sld [smem:$0x3FB1]  }
0x2a: {  	p0 =	seq.s32 s5, $0x0;
	s5 =	sld [smem:$0x3FB2]  }
0x2b: {  	s6 =	sld [smem:$0x3FB3]  }
0x2c: {  	s7 =	sld [smem:$0x3FB4]  }
0x2d: {  	s3 =	simm.s32 $0x108;
	s8 =	sld [smem:$0x3FB5]  }
0x2e: {  	s3 =	simm.s32 @!p0 $0x1082;
	s9 =	sld [smem:$0x3FB6]  }
0x2f: {  	lr =	sadd.s32 s0, s3;
	s0 =	sld [smem:$0x3FAD]  }
0x30: {  	s3 =	sld [smem:$0x3FB0]  }
0x31: {  	[smem:$0x3FB9] =	sst s10  }
0x32: {  	s10 =	sld [smem:$0x3FB7];
	_ =	sdelay $0x3  }
0x33: {  	p0 =	seq.s32 s10, $0x1;
	s10 =	sld [smem:$0x3FB9];
	_ =	sdelay $0x3  }
0x34: {  	[smem:$0x3FB9] =	sst s10  }
0x35: {  	s10 =	sld [smem:$0x3FB8];
	_ =	sdelay $0x3  }
0x36: {  	p1 =	seq.s32 s10, $0x1;
	s10 =	sld [smem:$0x3FB9];
	_ =	sdelay $0x3  }
0x37: {  	[smem:$0x3FB9] =	sst s10  }
0x38: {  	s10 =	sld [smem:$0x3FBA]  }
0x39: {  	_ = 	snop;
	(pc) =	sbr.ind lr, $3  }
0x3a: {  	_ = 	snop  }
0x3b: {  	_ = 	snop  }
0x3c: {  	p2 =	seq.s32 s10, $0x1;
	s10 =	sld [smem:$0x3FB9]  }
0x3d: {  	_ =	shalt  }
0x3e: {  	_ =	shalt  }
0x3f: {  	_ =	shalt  }
0x40: {  	_ =	shalt  }
0x41: {  	_ =	shalt  }
0x42: {  	_ =	shalt  }
0x43: {  	_ =	shalt  }
0x44: {  	_ =	shalt  }
0x45: {  	_ =	shalt  }
0x46: {  	_ =	shalt  }
0x47: {  	_ =	shalt  }
0x48: {  	_ =	shalt  }
0x49: {  	_ =	shalt  }
0x4a: {  	_ =	shalt  }
0x4b: {  	_ =	shalt  }
0x4c: {  	_ =	shalt  }
0x4d: {  	_ =	shalt  }
0x4e: {  	_ =	shalt  }
0x4f: {  	_ =	shalt  }
0x50: {  	_ =	shalt  }
0x51: {  	_ =	shalt  }
0x52: {  	_ =	shalt  }
0x53: {  	_ =	shalt  }
0x54: {  	_ =	shalt  }
0x55: {  	_ =	shalt  }
0x56: {  	_ =	shalt  }
0x57: {  	_ =	shalt  }
0x58: {  	_ =	shalt  }
0x59: {  	_ =	shalt  }
0x5a: {  	_ =	shalt  }
0x5b: {  	_ =	shalt  }
0x5c: {  	_ =	shalt  }
0x5d: {  	_ =	shalt  }
0x5e: {  	_ =	shalt  }
0x5f: {  	_ =	shalt  }
0x60: {  	_ =	shalt  }
0x61: {  	_ =	shalt  }
0x62: {  	_ =	shalt  }
0x63: {  	_ =	shalt  }
0x64: {  	_ =	shalt  }
0x65: {  	_ =	shalt  }
0x66: {  	_ =	shalt  }
0x67: {  	_ =	shalt  }
0x68: {  	_ =	shalt  }
0x69: {  	_ =	shalt  }
0x6a: {  	_ =	shalt  }
0x6b: {  	_ =	shalt  }
0x6c: {  	_ =	shalt  }
0x6d: {  	_ =	shalt  }
0x6e: {  	_ =	shalt  }
0x6f: {  	_ =	shalt  }
0x70: {  	_ =	shalt  }
0x71: {  	_ =	shalt  }
0x72: {  	_ =	shalt  }
0x73: {  	_ =	shalt  }
0x74: {  	_ =	shalt  }
0x75: {  	_ =	shalt  }
0x76: {  	_ =	shalt  }
0x77: {  	_ =	shalt  }
0x78: {  	_ =	shalt  }
0x79: {  	_ =	shalt  }
0x7a: {  	_ =	shalt  }
0x7b: {  	_ =	shalt  }
0x7c: {  	_ =	shalt  }
0x7d: {  	_ =	shalt  }
0x7e: {  	_ =	shalt  }
0x7f: {  	_ =	shalt  }
0x80: {  	_ =	shalt  }
0x81: {  	_ =	shalt  }
0x82: {  	_ =	shalt  }
0x83: {  	_ =	shalt  }
0x84: {  	_ =	shalt  }
0x85: {  	_ =	shalt  }
0x86: {  	_ =	shalt  }
0x87: {  	_ =	shalt  }
.Lfunc_end0:
.L_simem_size_0:
called_computation_lowered:
.L_overlay_start_0:
0x88: {  	s2 =	sld [smem:$0x3FD9]  }
0x89: {  	s3 =	sld [smem:$0x3FFE];
	_ =	sdelay $0x1  }
0x8a: {  	s1 =	srdreg.scid  }
0x8b: {  	s0 =	sand.u32 $0x1, s1  }
0x8c: {  	s17 =	sshll.u32 s0, $0xA;
	s2 =	sadd.s32 s3, s2  }
0x8d: {  	s2 =	sadd.s32 s2, s17  }
0x8e: {  	[smem:$0x3FC5] =	sst s2  }
0x8f: {  	_ = 	snop  }
0x90: {  	s2 =	sld [smem:$0x3FC9];
	(tm) =	ssettm $0x1  }
0x91: {  	s18 =	sld [smem:$0x3FFB];
	_ =	sdelay $0x3  }
0x92: {  	_ =	strace s18  }
0x93: {  	s3 =	sld [smem:$0x3FFC];
	_ =	sdelay $0x3  }
0x94: {  	_ =	strace s3  }
0x95: {  	s3 =	sld [smem:$0x3FFD];
	_ =	sdelay $0x3  }
0x96: {  	_ =	strace s3  }
0x97: {  	_ =	strace $0x8FFFFFFF  }
0x98: {  	s19 =	sld [smem:$0x3FDB];
	_ =	sdelay $0x1  }
0x99: {  	s4 =	simm.s32 $_scs_section_size  }
0x9a: {  	s5 =	simm.s32 $_size__tile_overlayer_lowered;
	s6 =	simm.s32 $_tile_overlayer_lowered  }
0x9b: {  	s22 =	simm.s32 $0x1BFF;
	s21 =	sshll.u32 s6, $0x1;
	s3 =	sadd.s32 s4, s19  }
0x9c: {  	s7 =	simm.s32 $0x0;
	s20 =	sshll.u32 s5, $0x1;
	s5 =	sadd.s32 s21, s3  }
0x9d: {  	[timem:s7], [sflag:s22] =	dma.local [hbm:s5], s20  }
0x9e: {  	_ =	swait.ge [sflag:s22], s20  }
0x9f: {  	s4 =	ssub.s32 $0x0, s20;
	[sflag:s22] =	ssyncset.done $0x0  }
0xa0: {  	[sflag:s22] =	ssyncadd.s32 s4;
	_ =	sdelay $0x1  }
0xa1: {  	s23 =	simm.s32 $0x1B8B  }
0xa2: {  	_ =	swait.ge [sflag:s23], $0x1  }
0xa3: {  	[sflag:s23] =	ssyncset.done $0x0  }
0xa4: {  	s25 =	simm.s32 $0x1B8E;
	s24 =	sld [smem:$0x3FFE];
	[sflag:s23] =	ssyncadd.s32 $0xFFFFFFFF  }
0xa5: {  	s26 =	simm.s32 $execute0_lowered;
	[smem:$0x3FD2] =	sst s25  }
0xa6: {  	s5 =	sshll.u32 s26, $0x1;
	_ =	strace $0x80000046;
	[dreg:$0x1] =	wrdreg $0xFFFFFFFF  }
0xa7: {  	s28 =	simm.s32 $_size_execute0_lowered;
	s3 =	sadd.s32 s3, s5;
	[dreg:$0x0] =	wrdreg $0x0  }
0xa8: {  	s5 =	sshll.u32 s28, $0x1;
	[dreg:$0x2] =	wrdreg s3  }
0xa9: {  	[dreg:$0x3] =	wrdreg s5  }
0xaa: {  	[dreg:$0x4] =	wrdreg $0xC0  }
0xab: {  	_ =	task [dreg:s7], $0x5FFFF  }
0xac: {  	[dreg:$0x1] =	wrdreg $0xFFFFFFFF  }
0xad: {  	[dreg:$0x0] =	wrdreg $0x60  }
0xae: {  	[dreg:$0x2] =	wrdreg s2  }
0xaf: {  	[dreg:$0x3] =	wrdreg s24  }
0xb0: {  	[dreg:$0x4] =	wrdreg $0x9  }
0xb1: {  	_ =	task.clear_ibuf [dreg:s7], $0x5FFFF;
	_ =	strace $0x90000046  }
0xb2: {  	s29 =	simm.s32 $0x9;
	_ =	strace $0x8000004F  }
0xb3: {  	_ =	swait.ge [sflag:s29], $0x1  }
0xb4: {  	[sflag:s29] =	ssyncadd.s32 $0xFFFFFFFF  }
0xb5: {  	_ =	strace $0x9000004F  }
0xb6: {  	_ =	sfence  }
0xb7: {  	s30 =	sld [smem:$0x0];
	_ =	sdelay $0x2  }
0xb8: {  	s31 =	sshll.u32 s1, $0xD;
	s1 =	sshrl.u32 s1, $0x2  }
0xb9: {  	s3 =	sand.u32 $0x4000, s31;
	s1 =	sadd.s32 s1, s30  }
0xba: {  	s0 =	sor.u32 s3, s0;
	s1 =	sshll.u32 s1, $0x11  }
0xbb: {  	s0 =	sor.u32 s1, s0  }
0xbc: {  	s0 =	sadd.s32 $0x8F2B, s0  }
0xbd: {  	[sflag:s0] =	ssyncadd.remote.s32 $0x1  }
0xbe: {  	_ =	sfence.sel $0xFFFF  }
0xbf: {  	[dreg:$0x0] =	wrdreg $0xFFFFFFFF;
	(pc) =	sbr.abs _section_cstart, $3  }
0xc0: {  	[dreg:$0x1] =	wrdreg $0xFFFFFFFF  }
0xc1: {  	_ =	task.clear_ibuf [dreg:s7], $0x2FFFF;
	_ =	strace $0x9FFFFFFF  }
0xc2: {  	(tm) =	ssettm $0x7FFFFFFF  }
0xc3: {  	_ =	shalt  }
tec
execute0_lowered:
.L_overlay_start_1:
0x0: {  	(tag) =	ssettag $0x1  }
0x1: {  	s1 =	srdreg.scid;
	s2 =	rddreg [dreg:$0x0]  }
0x2: {  	s0 =	stileid.u32;
	s6 =	rddreg [dreg:$0x1]  }
0x3: {  	s3 =	simm.s32 $0x0;
	s5 =	sand.u32 $0x1, s1;
	s1 =	rddreg [dreg:$0x2]  }
0x4: {  	s7 =	sshll.u32 s0, $0x1;
	[smem:$0x7FF] =	sst s3;
	s4 =	sshll.u32 s5, $0x5  }
0x5: {  	s30 =	ssub.s32 $0x2, s5;
	_ =	strace $0x80000047;
	s4 =	sor.u32 s7, s4  }
0x6: {  	s5 =	sadd.s32 $0x800, s6;
	s8 =	sshrl.u32 s30, $0x1;
	s31 =	sshll.u32 s4, $0xC  }
0x7: {  	s7 =	ssub.s32 s30, s8;
	s8 =	simm.s32 $0x4;
	s9 =	sadd.s32 s31, s2  }
0x8: {  	s7 =	smax.u32 s7, $0x1;
	s6 =	sadd.s32 $0xC0000, s9;
	s9 =	simm.s32 $0x0  }
.LBB2_1:
0x9: {  	_ =	strace $0x80000048;
	s10 =	simm.s32 $0x0;
	s17 =	simm.s32 $0x0  }
0xa: {  	s11 =	simm.s32 $0x0;
	s12 =	simm.s32 $0x0;
	s13 =	simm.s32 $0x0  }
0xb: {  	[tilespmem:s3], [sflag:$0x1] =	stream.linear.gather [hbm4b:s6+s3], $0x8000, $0x200038;
	[tilespmem:$0x11000] =	vst v63  }
0xc: {  	s14 =	simm.s32 $0x1;
	s15 =	simm.s32 $0x0;
	_ =	strace $0x90000048  }
.LBB2_2:
0xd: {  	s19 =	smov.u32 s10;
	s10 =	sadd.s32 $0x1, s10  }
0xe: {  	s16 =	simm.s32 $0x1;
	p0 =	seq.s32 s10, $0x2  }
0xf: {  	s16 =	simm.s32 @!p0 $0x0  }
0x10: {  	s16 =	sadd.s32 s16, s17  }
0x11: {  	p1 =	seq.s32 s16, $0x4  }
0x12: {  	s10 =	simm.s32 @p0 $0x0;
	s16 =	simm.s32 @p1 $0x0  }
0x13: {  	p5 =	sne.s32 s19, s10;
	p4 =	sne.s32 s17, s16  }
0x14: {  	p6 =	sne.s32 s15, $0x7;
	p1 =	por p5, p4  }
0x15: {  	p0 =	por !p6, !p1  }
0x16: {  	p0 =	por !p0, !p0  }
0x17: {  	s18 =	sadd.s32 @p0 s4, s10  }
0x18: {  	s20 =	sshll.u32 @p0 s16, $0x17;
	s18 =	sshll.u32 @p0 s18, $0xF  }
0x19: {  	s18 =	sadd.s32 @p0 s20, s18  }
0x1a: {  	_ =	strace @p0 $0x80000049;
	s18 =	sadd.s32 @p0 $0x600000, s18  }
0x1b: {  	s22 =	simm.s32 @p0 $0x0;
	s20 =	sand.u32 @p0 $0x1, s14;
	s18 =	sshrl.u32 @p0 s18, $0x3  }
0x1c: {  	s21 =	sshll.u32 @p0 s20, $0xF;
	s20 =	sadd.s32 @p0 $0x1, s20;
	s18 =	sadd.s32 @p0 s2, s18  }
0x1d: {  	[tilespmem:s21], [sflag:s20] =	stream.linear.gather @p0 [hbm4b:s18+s22], $0x8000, $0x200038;
	[tilespmem:$0x11000] =	vst v63  }
0x1e: {  	s24 =	sand.u32 $0x1, s13;
	_ =	strace @p0 $0x90000049  }
0x1f: {  	s18 =	sadd.s32 $0x1, s24;
	_ =	strace $0x8000004A  }
0x20: {  	_ =	swait.ge [sflag:s18], $0x8000  }
0x21: {  	s25 =	sshll.u32 s13, $0xF;
	s26 =	simm.s32 $0x0;
	[sflag:s18] =	ssyncset.done $0x0  }
0x22: {  	s28 =	sand.u32 $0x3C00, s26;
	s21 =	sand.u32 $0x8000, s25;
	[sflag:s18] =	ssyncadd.s32 $0xFFFF8000  }
0x23: {  	s29 =	sand.u32 $0x70, s26;
	s18 =	sadd.s32 s28, s21;
	_ =	strace $0x9000004A  }
0x24: {  	s18 =	sadd.s32 s29, s18;
	_ =	strace $0x8000004B  }
0x25: {  	v0 =	vld [tilespmem:s18+$0x80]  }
0x26: {  	v1 =	vld [tilespmem:s18+$0x0];
	_ =	sdelay $0x1  }
0x27: {  	v2 =	vld [tilespmem:s18+$0x100];
	_ =	sdelay $0x1  }
0x28: {  	v3 =	vld [tilespmem:s18+$0x180]  }
0x29: {  	v0 =	vadd.f32 v0, v1  }
0x2a: {  	v1 =	vld [tilespmem:s18+$0x200]  }
0x2b: {  	v0 =	vadd.f32 v2, v0  }
0x2c: {  	v2 =	vld [tilespmem:s18+$0x280]  }
0x2d: {  	v0 =	vadd.f32 v3, v0  }
0x2e: {  	v3 =	vld [tilespmem:s18+$0x300]  }
0x2f: {  	v0 =	vadd.f32 v1, v0  }
0x30: {  	v1 =	vld [tilespmem:s18+$0x380]  }
0x31: {  	v0 =	vadd.f32 v2, v0  }
0x32: {  	v2 =	vld [tilespmem:s18+$0x4000]  }
0x33: {  	v0 =	vadd.f32 v3, v0  }
0x34: {  	v3 =	vld [tilespmem:s18+$0x4080]  }
0x35: {  	v0 =	vadd.f32 v1, v0  }
0x36: {  	v1 =	vld [tilespmem:s18+$0x4100]  }
0x37: {  	v0 =	vadd.f32 v2, v0  }
0x38: {  	v2 =	vld [tilespmem:s18+$0x4180]  }
0x39: {  	v0 =	vadd.f32 v3, v0  }
0x3a: {  	v3 =	vld [tilespmem:s18+$0x4200]  }
0x3b: {  	v0 =	vadd.f32 v1, v0  }
0x3c: {  	v1 =	vld [tilespmem:s18+$0x4280]  }
0x3d: {  	v0 =	vadd.f32 v2, v0  }
0x3e: {  	v2 =	vld [tilespmem:s18+$0x4300]  }
0x3f: {  	v0 =	vadd.f32 v3, v0  }
0x40: {  	v3 =	vld [tilespmem:s18+$0x4380]  }
0x41: {  	v0 =	vadd.f32 v1, v0;
	_ =	sdelay $0x1  }
0x42: {  	s23 =	simm.s32 $0x80;
	s18 =	sand.u32 $0x1, s12;
	v0 =	vadd.f32 v2, v0  }
0x43: {  	s31 =	simm.s32 $0x10;
	s20 =	sadd.s32 s4, s19;
	s30 =	sshll.u32 s18, $0xB  }
0x44: {  	s24 =	sand.u32 $0x3C00, s23;
	s25 =	sand.u32 $0x70, s31;
	s19 =	sor.u32 $0x10000, s30;
	v0 =	vadd.f32 v3, v0  }
0x45: {  	s26 =	sadd.s32 s24, s21;
	s24 =	simm.s32 $0x20;
	s22 =	smov.u32 s19  }
.LBB2_3:
0x46: {  	p2 =	sne.s32 s24, $0x7F0;
	s25 =	sadd.s32 s25, s26;
	[tilespmem:s22+$0x0] =	vst v0  }
0x47: {  	v0 =	vld [tilespmem:s25+$0x80]  }
0x48: {  	v1 =	vld [tilespmem:s25+$0x0];
	_ =	sdelay $0x1  }
0x49: {  	v2 =	vld [tilespmem:s25+$0x100];
	_ =	sdelay $0x1  }
0x4a: {  	v3 =	vld [tilespmem:s25+$0x180]  }
0x4b: {  	v0 =	vadd.f32 v0, v1  }
0x4c: {  	v1 =	vld [tilespmem:s25+$0x200]  }
0x4d: {  	v0 =	vadd.f32 v2, v0  }
0x4e: {  	v2 =	vld [tilespmem:s25+$0x280]  }
0x4f: {  	v0 =	vadd.f32 v3, v0  }
0x50: {  	v3 =	vld [tilespmem:s25+$0x300]  }
0x51: {  	v0 =	vadd.f32 v1, v0  }
0x52: {  	v1 =	vld [tilespmem:s25+$0x380]  }
0x53: {  	v0 =	vadd.f32 v2, v0  }
0x54: {  	v2 =	vld [tilespmem:s25+$0x4000]  }
0x55: {  	v0 =	vadd.f32 v3, v0  }
0x56: {  	v3 =	vld [tilespmem:s25+$0x4080]  }
0x57: {  	v0 =	vadd.f32 v1, v0  }
0x58: {  	v1 =	vld [tilespmem:s25+$0x4100]  }
0x59: {  	v0 =	vadd.f32 v2, v0  }
0x5a: {  	v2 =	vld [tilespmem:s25+$0x4180]  }
0x5b: {  	v0 =	vadd.f32 v3, v0  }
0x5c: {  	v3 =	vld [tilespmem:s25+$0x4200]  }
0x5d: {  	v0 =	vadd.f32 v1, v0  }
0x5e: {  	v1 =	vld [tilespmem:s25+$0x4280]  }
0x5f: {  	v0 =	vadd.f32 v2, v0  }
0x60: {  	v2 =	vld [tilespmem:s25+$0x4300]  }
0x61: {  	v0 =	vadd.f32 v3, v0  }
0x62: {  	v3 =	vld [tilespmem:s25+$0x4380]  }
0x63: {  	v0 =	vadd.f32 v1, v0  }
.Ltmp0:
0x64: {  	(pc) =	sbr.rel @p2 .LBB2_3-.Ltmp0, $4  }
0x65: {  	v0 =	vadd.f32 v2, v0  }
0x66: {  	s23 =	sadd.s32 $0x80, s23  }
0x67: {  	s22 =	sadd.s32 $0x10, s22;
	s26 =	sand.u32 $0x3C00, s23;
	v0 =	vadd.f32 v3, v0  }
0x68: {  	s26 =	sadd.s32 s26, s21;
	s25 =	sand.u32 $0x70, s24;
	s24 =	sadd.s32 $0x10, s24  }
0x69: {  	s21 =	sadd.s32 s25, s26;
	[tilespmem:s22+$0x0] =	vst v0  }
0x6a: {  	v0 =	vld [tilespmem:s21+$0x80]  }
0x6b: {  	v1 =	vld [tilespmem:s21+$0x0];
	_ =	sdelay $0x1  }
0x6c: {  	v2 =	vld [tilespmem:s21+$0x100];
	_ =	sdelay $0x1  }
0x6d: {  	v3 =	vld [tilespmem:s21+$0x180]  }
0x6e: {  	v0 =	vadd.f32 v0, v1  }
0x6f: {  	v52 =	vld [tilespmem:s21+$0x200]  }
0x70: {  	v0 =	vadd.f32 v2, v0  }
0x71: {  	v53 =	vld [tilespmem:s21+$0x280]  }
0x72: {  	v0 =	vadd.f32 v3, v0  }
0x73: {  	v54 =	vld [tilespmem:s21+$0x300]  }
0x74: {  	v0 =	vadd.f32 v52, v0  }
0x75: {  	v55 =	vld [tilespmem:s21+$0x380]  }
0x76: {  	v0 =	vadd.f32 v53, v0  }
0x77: {  	v56 =	vld [tilespmem:s21+$0x4000]  }
0x78: {  	v0 =	vadd.f32 v54, v0  }
0x79: {  	v57 =	vld [tilespmem:s21+$0x4080]  }
0x7a: {  	v0 =	vadd.f32 v55, v0  }
0x7b: {  	v58 =	vld [tilespmem:s21+$0x4100]  }
0x7c: {  	v0 =	vadd.f32 v56, v0  }
0x7d: {  	v59 =	vld [tilespmem:s21+$0x4180]  }
0x7e: {  	v0 =	vadd.f32 v57, v0  }
0x7f: {  	v60 =	vld [tilespmem:s21+$0x4200]  }
0x80: {  	v0 =	vadd.f32 v58, v0  }
0x81: {  	v61 =	vld [tilespmem:s21+$0x4280]  }
0x82: {  	v0 =	vadd.f32 v59, v0  }
0x83: {  	v62 =	vld [tilespmem:s21+$0x4300]  }
0x84: {  	v0 =	vadd.f32 v60, v0  }
0x85: {  	v63 =	vld [tilespmem:s21+$0x4380]  }
0x86: {  	v0 =	vadd.f32 v61, v0  }
0x87: {  	p2 =	seq.s32 s15, $0x7  }
0x88: {  	p1 =	por p2, p1;
	v0 =	vadd.f32 v62, v0  }
0x89: {  	s31 =	sadd.s32 $0x10, s22;
	s21 =	simm.s32 $0x1;
	s22 =	sshll.u32 @p1 s20, $0xB  }
0x8a: {  	s17 =	sshll.u32 @p1 s17, $0x11;
	s20 =	sshll.u32 @p1 s20, $0x7;
	s22 =	sand.u32 @p1 $0xFFFFC000, s22;
	v0 =	vadd.f32 v63, v0  }
0x8b: {  	s21 =	simm.s32 @!p0 $0x0;
	s20 =	sand.u32 @p1 $0x380, s20;
	s17 =	sadd.s32 @p1 s17, s22  }
0x8c: {  	s18 =	sadd.s32 @p1 $0x3, s18;
	p0 =	seq.s32 s15, $0x0;
	s17 =	sor.u32 @p1 s20, s17;
	[tilespmem:s31+$0x0] =	vst v0  }
0x8d: {  	s22 =	simm.s32 @p1 $0x400;
	s17 =	sshrl.u32 @p1 s17, $0x3;
	_ =	strace $0x9000004B  }
0x8e: {  	s20 =	simm.s32 @p1 $0x80;
	s17 =	sadd.s32 @p1 s5, s17;
	_ =	strace @p1 $0x8000004C  }
0x8f: {  	[hbm4b:s17+s20] =	stream.strided.scatter @p1 [tilespmem:s19], [sflag:s18], $0x800, s22, s20, $0x200038;
	[tilespmem:$0x11000] =	vst v63  }
0x90: {  	s17 =	simm.s32 $0x1;
	s19 =	simm.s32 $0x1;
	_ =	strace @p1 $0x9000004C  }
0x91: {  	s17 =	simm.s32 @!p1 $0x0;
	p1 =	sne.s32 s15, $0x0;
	s15 =	sadd.s32 $0x1, s15  }
0x92: {  	s18 =	sand.u32 @!p0 $0x1, s11;
	s19 =	simm.s32 @!p1 $0x0;
	p1 =	sne.s32 s15, $0x8  }
.Ltmp1:
0x93: {  	s18 =	sadd.s32 @!p0 $0x3, s18;
	_ =	strace @!p0 $0x8000004D;
	(pc) =	sbr.rel @p1 .LBB2_2-.Ltmp1, $4  }
0x94: {  	_ =	swait.ge @!p0 [sflag:s18], $0x800  }
0x95: {  	s14 =	sadd.s32 s21, s14;
	[sflag:s18] =	ssyncset.done @!p0 $0x0  }
0x96: {  	s12 =	sadd.s32 s17, s12;
	s13 =	sadd.s32 s17, s13;
	[sflag:s18] =	ssyncadd.s32 @!p0 $0xFFFFF800  }
0x97: {  	s17 =	smov.u32 s16;
	s11 =	sadd.s32 s19, s11;
	_ =	strace @!p0 $0x9000004D  }
0x98: {  	s9 =	sadd.s32 $0x1, s9  }
0x99: {  	p0 =	sne.s32 s9, s7  }
.Ltmp2:
0x9a: {  	_ =	strace $0x8000004E;
	(pc) =	sbr.rel @p0 .LBB2_1-.Ltmp2, $4  }
0x9b: {  	_ =	swait.ge [sflag:s8], $0x800  }
0x9c: {  	[sflag:s8] =	ssyncset.done $0x0  }
0x9d: {  	[sflag:s8] =	ssyncadd.s32 $0xFFFFF800  }
0x9e: {  	_ =	strace $0x9000004E  }
0x9f: {  	_ =	sfence.sel $0x180000  }
0xa0: {  	[bflag:$0x0] =	sbarrier.arrive $0xFFFF  }
0xa1: {  	p0 =	sne.s32 s0, $0x0;
	_ =	strace $0x90000047  }
0xa2: {  	s0 =	sadd.s32 @!p0 $0x100000, s1;
	[bflag:$0x2] =	sbarrier.arrive $0xFFFF  }
0xa3: {  	[sflag:s0] =	ssyncadd.tile.s32 @!p0 $0x1;
	_ =	shalt  }
.Lfunc_end2:
_tile_overlayer_lowered:
.L_overlay_start_2:
0xa4: {  	(tag) =	ssettag $0x2  }
0xa5: {  	s0 =	rddreg [dreg:$0x0];
	s2 =	stileid.u32  }
0xa6: {  	s1 =	rddreg [dreg:$0x1];
	p0 =	sne.s32 s2, $0x0  }
0xa7: {  	s3 =	rddreg [dreg:$0x2];
	[bflag:$0x3] =	sbarrier.arrive $0xFFFF;
	s2 =	simm.s32 @!p0 $0x1C01  }
0xa8: {  	[timem:s3], [sflag:s2] =	dma.local @!p0 [hbm:s0], s1  }
0xa9: {  	s0 =	simm.s32 @!p0 $0x1  }
0xaa: {  	_ =	swait.ge @!p0 [sflag:s0], s1  }
0xab: {  	s1 =	ssub.s32 @!p0 $0x0, s1;
	[sflag:s0] =	ssyncset.done @!p0 $0x0  }
0xac: {  	[sflag:s0] =	ssyncadd.s32 @!p0 s1  }
0xad: {  	[bflag:$0x3] =	sbarrier.arrive $0xFFFF  }
0xae: {  	_ =	shalt  }

</sc_bundles>
